<compile_context>
chip_gen: v7x
topology: tpu7x:2x2x1
jax: 0.10.2.dev20260603
libtpu: 0.0.44.dev20260713+nightly
codegen_flags: <defaults>
</compile_context>

<pallas_src>
import functools

import jax
import jax.numpy as jnp
from jax import lax
from jax.experimental import pallas as pl
from jax.experimental.pallas import tpu as pltpu
from jax.experimental.pallas import tpu_sc as plsc

TOKEN_EMB = 64
POS_EMB = 64
POS_VOCAB = 2048
OUT_D = TOKEN_EMB + POS_EMB

NUM_CORES = 2
NUM_SUBCORES = 16
NW = NUM_CORES * NUM_SUBCORES

IDX_MINOR = 128
K = 2
CHUNK = K * IDX_MINOR


def _make_kernel(n_total: int):
  per_w = n_total // NW
  n_iters = per_w // CHUNK
  idx_rows = per_w // IDX_MINOR
  assert per_w % CHUNK == 0 and n_iters % 2 == 0 and n_iters >= 4

  mesh = plsc.VectorSubcoreMesh(
      core_axis_name="c", subcore_axis_name="s",
      num_cores=NUM_CORES, num_subcores=NUM_SUBCORES)

  @functools.partial(
      pl.kernel,
      out_type=jax.ShapeDtypeStruct((n_total, OUT_D), jnp.float32),
      mesh=mesh,
      compiler_params=pltpu.CompilerParams(use_tc_tiling_on_sc=False),
      scratch_types=[
          pltpu.VMEM((idx_rows, IDX_MINOR), jnp.int32),
          pltpu.VMEM((idx_rows, IDX_MINOR), jnp.int32),
          pltpu.VMEM((2, CHUNK, TOKEN_EMB), jnp.float32),
          pltpu.VMEM((2, CHUNK, POS_EMB), jnp.float32),
          pltpu.SemaphoreType.DMA,
          pltpu.SemaphoreType.DMA,
          pltpu.SemaphoreType.DMA,
          pltpu.SemaphoreType.DMA,
          pltpu.SemaphoreType.DMA,
          pltpu.SemaphoreType.DMA,
      ],
  )
  def emb_kernel(tok_hbm, pos_hbm, tok_tab_hbm, pos_tab_hbm, out_hbm,
                 tok_idx_v, pos_idx_v, tok_rows_v, pos_rows_v,
                 sgt0, sgt1, sgp0, sgp1, sw0, sw1):
    wid = lax.axis_index("s") * NUM_CORES + lax.axis_index("c")
    w_el = wid * per_w
    sgt = (sgt0, sgt1)
    sgp = (sgp0, sgp1)
    sw = (sw0, sw1)

    row0 = wid * idx_rows
    pltpu.sync_copy(tok_hbm.at[pl.ds(row0, idx_rows)], tok_idx_v)
    pltpu.sync_copy(pos_hbm.at[pl.ds(row0, idx_rows)], pos_idx_v)

    def issue_gathers(g, p):
      for t in range(K):
        row = g * K + t
        sl = pl.ds(t * IDX_MINOR, IDX_MINOR)
        pltpu.async_copy(
            tok_tab_hbm.at[tok_idx_v.at[row]],
            tok_rows_v.at[p].at[sl], sgt[p])
        pltpu.async_copy(
            pos_tab_hbm.at[pos_idx_v.at[row]],
            pos_rows_v.at[p].at[sl], sgp[p])

    def wait_gathers(p, g):
      base = w_el + g * CHUNK
      for t in range(K):
        sl = pl.ds(t * IDX_MINOR, IDX_MINOR)
        pltpu.make_async_copy(
            tok_tab_hbm.at[tok_idx_v.at[t]],
            tok_rows_v.at[p].at[sl], sgt[p]).wait()
      pltpu.async_copy(
          tok_rows_v.at[p],
          out_hbm.at[pl.ds(base, CHUNK), pl.ds(0, TOKEN_EMB)], sw[p])
      for t in range(K):
        sl = pl.ds(t * IDX_MINOR, IDX_MINOR)
        pltpu.make_async_copy(
            pos_tab_hbm.at[pos_idx_v.at[t]],
            pos_rows_v.at[p].at[sl], sgp[p]).wait()
      pltpu.async_copy(
          pos_rows_v.at[p],
          out_hbm.at[pl.ds(base, CHUNK), pl.ds(TOKEN_EMB, POS_EMB)], sw[p])

    def wait_writes(p):
      pltpu.make_async_copy(
          tok_rows_v.at[p],
          out_hbm.at[pl.ds(w_el, CHUNK), pl.ds(0, TOKEN_EMB)],
          sw[p]).wait()
      pltpu.make_async_copy(
          pos_rows_v.at[p],
          out_hbm.at[pl.ds(w_el, CHUNK), pl.ds(TOKEN_EMB, POS_EMB)],
          sw[p]).wait()

    issue_gathers(0, 0)
    issue_gathers(1, 1)
    wait_gathers(0, 0)

    @pl.loop(2, n_iters, step=2)
    def _steady(gi):
      for b in range(2):
        g = gi + b
        wait_writes(b)
        issue_gathers(g, b)
        wait_gathers(1 - b, g - 1)

    wait_gathers(1, n_iters - 1)
    wait_writes(0)
    wait_writes(1)

  return emb_kernel


@jax.jit
def kernel(tokens, pos, token_table, pos_table):
  B, L = tokens.shape
  n_total = B * L
  emb = _make_kernel(n_total)
  out = emb(tokens.reshape(n_total // IDX_MINOR, IDX_MINOR),
            pos.reshape(n_total // IDX_MINOR, IDX_MINOR),
            token_table, pos_table)
  return out.reshape(B, L, OUT_D)

# --- scband reference (transcript-rebuilt; emitter-appended) ---
"""Pipeline reference for scband-embedding-layer-9302899163791 (READ-ONLY COPY).

The authoritative reference and input builder live on the scoring server;
editing this copy changes nothing except your own understanding.
"""

import jax, jax.numpy as jnp
import numpy as np

TOKEN_VOCAB = 1000000
POS_VOCAB = 2048
TOKEN_EMB = 64
POS_EMB = 64
B, L = 4096, 200


def setup_inputs(seed: int = 0) -> dict:
    key = jax.random.key(seed)
    k1, k2, k3, k4 = jax.random.split(key, 4)
    tokens = jax.random.randint(k1, (B, L), 0, TOKEN_VOCAB, dtype=jnp.int64 if jax.config.jax_enable_x64 else jnp.int32).astype(jnp.int32)
    pos = jax.random.randint(k2, (B, L), 0, POS_VOCAB, dtype=jnp.int32)
    token_table = jax.random.normal(k3, (TOKEN_VOCAB, TOKEN_EMB), dtype=jnp.float32) * 0.02
    pos_table = jax.random.normal(k4, (POS_VOCAB, POS_EMB), dtype=jnp.float32) * 0.02
    # padding_idx rows are zero-initialized in torch nn.Embedding
    token_table = token_table.at[0].set(0.0)
    pos_table = pos_table.at[0].set(0.0)
    return {"tokens": tokens, "pos": pos, "token_table": token_table, "pos_table": pos_table}


def reference(tokens, pos, token_table, pos_table):
    # token embedding lookup (gather)
    tok_emb = jnp.take(token_table, tokens, axis=0)  # [B, L, TOKEN_EMB]
    pos_emb = jnp.take(pos_table, pos, axis=0)       # [B, L, POS_EMB]
    out = jnp.concatenate((tok_emb, pos_emb), axis=-1)  # [B, L, TOKEN_EMB+POS_EMB]
    # dropout is identity in eval mode
    return out

if __name__ == "__main__":
    import jax
    _d = setup_inputs()
    print(jax.jit(kernel)(*tuple(_d.values())))

</pallas_src>

<mosaic_0001>
#map = affine_map<(d0, d1) -> (0, 0)>
module attributes {stable_mosaic.version = 14 : i64} {
  func.func @emb_kernel(%arg0: i32, %arg1: i32, %arg2: memref<6400x128xi32, #tpu.memory_space<hbm>>, %arg3: memref<6400x128xi32, #tpu.memory_space<hbm>>, %arg4: memref<1000000x64xf32, #tpu.memory_space<hbm>>, %arg5: memref<2048x64xf32, #tpu.memory_space<hbm>>, %arg6: memref<819200x128xf32, #tpu.memory_space<hbm>>, %arg7: memref<200x128xi32, #tpu.memory_space<vmem>>, %arg8: memref<200x128xi32, #tpu.memory_space<vmem>>, %arg9: memref<2x256x64xf32, #tpu.memory_space<vmem>>, %arg10: memref<2x256x64xf32, #tpu.memory_space<vmem>>, %arg11: memref<!tpu.dma_semaphore, #tpu.memory_space<semaphore_mem>>, %arg12: memref<!tpu.dma_semaphore, #tpu.memory_space<semaphore_mem>>, %arg13: memref<!tpu.dma_semaphore, #tpu.memory_space<semaphore_mem>>, %arg14: memref<!tpu.dma_semaphore, #tpu.memory_space<semaphore_mem>>, %arg15: memref<!tpu.dma_semaphore, #tpu.memory_space<semaphore_mem>>, %arg16: memref<!tpu.dma_semaphore, #tpu.memory_space<semaphore_mem>>) attributes {dimension_semantics = [#tpu.dimension_semantics<core_parallel>, #tpu.dimension_semantics<subcore_parallel>], iteration_bounds = array<i64: 2, 16>, scalar_prefetch = 0 : i64, scratch_operands = 10 : i64, tpu.core_type = #tpu.core_type<sc_vector_subcore>, window_params = [{transform_indices = #map}, {transform_indices = #map}, {transform_indices = #map}, {transform_indices = #map}, {transform_indices = #map}]} {
    %mul3A = arith.constant 2 : i32
    %mul3A_0 = arith.muli %arg1, %mul3A : i32
    %add3A = arith.addi %mul3A_0, %arg0 : i32
    %mul3A_1 = arith.constant 25600 : i32
    %mul3A_2 = arith.muli %add3A, %mul3A_1 : i32
    %mul3A_3 = arith.constant 200 : i32
    %mul3A_4 = arith.muli %add3A, %mul3A_3 : i32
    "tpu.region"() ({
      %run_scoped3A = tpu.sem_alloc : memref<!tpu.dma_semaphore, #tpu.memory_space<semaphore_mem>>
      %dma_start3A_355 = arith.constant 0 : i32
      %dma_start3A_356 = tpu.memref_slice %arg2[%mul3A_4, %dma_start3A_355] : memref<6400x128xi32, #tpu.memory_space<hbm>> -> memref<200x128xi32, #tpu.memory_space<hbm>>
      %dma_start3A_357 = arith.constant 0 : i32
      %dma_start3A_358 = tpu.memref_slice %arg2[%mul3A_4, %dma_start3A_357] : memref<6400x128xi32, #tpu.memory_space<hbm>> -> memref<200x128xi32, #tpu.memory_space<hbm>>
      tpu.enqueue_dma source(%dma_start3A_358 : memref<200x128xi32, #tpu.memory_space<hbm>>) target(%arg7 : memref<200x128xi32, #tpu.memory_space<vmem>>) target_semaphore(%run_scoped3A : memref<!tpu.dma_semaphore, #tpu.memory_space<semaphore_mem>>)
      %dma_wait3A_359 = arith.constant 0 : i32
      %dma_wait3A_360 = tpu.memref_slice %arg2[%mul3A_4, %dma_wait3A_359] : memref<6400x128xi32, #tpu.memory_space<hbm>> -> memref<200x128xi32, #tpu.memory_space<hbm>>
      %dma_wait3A_361 = arith.constant 0 : i32
      %dma_wait3A_362 = tpu.memref_slice %arg2[%mul3A_4, %dma_wait3A_361] : memref<6400x128xi32, #tpu.memory_space<hbm>> -> memref<200x128xi32, #tpu.memory_space<hbm>>
      tpu.wait_dma2 semaphore(%run_scoped3A : memref<!tpu.dma_semaphore, #tpu.memory_space<semaphore_mem>>) src(%dma_wait3A_362 : memref<200x128xi32, #tpu.memory_space<hbm>>) dst(%arg7 : memref<200x128xi32, #tpu.memory_space<vmem>>)
      tpu.yield
    }) : () -> ()
    "tpu.region"() ({
      %run_scoped3A = tpu.sem_alloc : memref<!tpu.dma_semaphore, #tpu.memory_space<semaphore_mem>>
      %dma_start3A_355 = arith.constant 0 : i32
      %dma_start3A_356 = tpu.memref_slice %arg3[%mul3A_4, %dma_start3A_355] : memref<6400x128xi32, #tpu.memory_space<hbm>> -> memref<200x128xi32, #tpu.memory_space<hbm>>
      %dma_start3A_357 = arith.constant 0 : i32
      %dma_start3A_358 = tpu.memref_slice %arg3[%mul3A_4, %dma_start3A_357] : memref<6400x128xi32, #tpu.memory_space<hbm>> -> memref<200x128xi32, #tpu.memory_space<hbm>>
      tpu.enqueue_dma source(%dma_start3A_358 : memref<200x128xi32, #tpu.memory_space<hbm>>) target(%arg8 : memref<200x128xi32, #tpu.memory_space<vmem>>) target_semaphore(%run_scoped3A : memref<!tpu.dma_semaphore, #tpu.memory_space<semaphore_mem>>)
      %dma_wait3A_359 = arith.constant 0 : i32
      %dma_wait3A_360 = tpu.memref_slice %arg3[%mul3A_4, %dma_wait3A_359] : memref<6400x128xi32, #tpu.memory_space<hbm>> -> memref<200x128xi32, #tpu.memory_space<hbm>>
      %dma_wait3A_361 = arith.constant 0 : i32
      %dma_wait3A_362 = tpu.memref_slice %arg3[%mul3A_4, %dma_wait3A_361] : memref<6400x128xi32, #tpu.memory_space<hbm>> -> memref<200x128xi32, #tpu.memory_space<hbm>>
      tpu.wait_dma2 semaphore(%run_scoped3A : memref<!tpu.dma_semaphore, #tpu.memory_space<semaphore_mem>>) src(%dma_wait3A_362 : memref<200x128xi32, #tpu.memory_space<hbm>>) dst(%arg8 : memref<200x128xi32, #tpu.memory_space<vmem>>)
      tpu.yield
    }) : () -> ()
    %dma_start3A = arith.constant 0 : i32
    %dma_start3A_5 = arith.constant 0 : i32
    %dma_start3A_6 = arith.constant 0 : i32
    %dma_start3A_7 = arith.constant 0 : i32
    %dma_start3A_8 = tpu.memref_slice %arg9[%dma_start3A_5, %dma_start3A_6, %dma_start3A_7] : memref<2x256x64xf32, #tpu.memory_space<vmem>> -> memref<1x256x64xf32, #tpu.memory_space<vmem>>
    %dma_start3A_9 = tpu.memref_squeeze %dma_start3A_8 : memref<1x256x64xf32, #tpu.memory_space<vmem>> -> memref<256x64xf32, #tpu.memory_space<vmem>>
    %dma_start3A_10 = arith.constant 0 : i32
    %dma_start3A_11 = arith.constant 0 : i32
    %dma_start3A_12 = tpu.memref_slice %dma_start3A_9[%dma_start3A_10, %dma_start3A_11] : memref<256x64xf32, #tpu.memory_space<vmem>> -> memref<128x64xf32, #tpu.memory_space<vmem>>
    %dma_start3A_13 = arith.constant 0 : i32
    %dma_start3A_14 = tpu.memref_slice %arg7[%dma_start3A, %dma_start3A_13] : memref<200x128xi32, #tpu.memory_space<vmem>> -> memref<1x128xi32, #tpu.memory_space<vmem>>
    %dma_start3A_15 = tpu.memref_squeeze %dma_start3A_14 : memref<1x128xi32, #tpu.memory_space<vmem>> -> memref<128xi32, #tpu.memory_space<vmem>>
    %dma_start3A_16 = arith.constant 0 : i32
    %dma_start3A_17 = arith.constant 0 : i32
    %dma_start3A_18 = tpu.memref_slice %arg4[%dma_start3A_16, %dma_start3A_17] : memref<1000000x64xf32, #tpu.memory_space<hbm>> -> memref<1000000x64xf32, #tpu.memory_space<hbm>>
    tpu.enqueue_indirect_dma source(%dma_start3A_18 : memref<1000000x64xf32, #tpu.memory_space<hbm>>) target(%dma_start3A_12 : memref<128x64xf32, #tpu.memory_space<vmem>>) offsets(%dma_start3A_15 : memref<128xi32, #tpu.memory_space<vmem>>) semaphore(%arg11 : memref<!tpu.dma_semaphore, #tpu.memory_space<semaphore_mem>>)
    %dma_start3A_19 = arith.constant 0 : i32
    %dma_start3A_20 = arith.constant 0 : i32
    %dma_start3A_21 = arith.constant 0 : i32
    %dma_start3A_22 = arith.constant 0 : i32
    %dma_start3A_23 = tpu.memref_slice %arg10[%dma_start3A_20, %dma_start3A_21, %dma_start3A_22] : memref<2x256x64xf32, #tpu.memory_space<vmem>> -> memref<1x256x64xf32, #tpu.memory_space<vmem>>
    %dma_start3A_24 = tpu.memref_squeeze %dma_start3A_23 : memref<1x256x64xf32, #tpu.memory_space<vmem>> -> memref<256x64xf32, #tpu.memory_space<vmem>>
    %dma_start3A_25 = arith.constant 0 : i32
    %dma_start3A_26 = arith.constant 0 : i32
    %dma_start3A_27 = tpu.memref_slice %dma_start3A_24[%dma_start3A_25, %dma_start3A_26] : memref<256x64xf32, #tpu.memory_space<vmem>> -> memref<128x64xf32, #tpu.memory_space<vmem>>
    %dma_start3A_28 = arith.constant 0 : i32
    %dma_start3A_29 = tpu.memref_slice %arg8[%dma_start3A_19, %dma_start3A_28] : memref<200x128xi32, #tpu.memory_space<vmem>> -> memref<1x128xi32, #tpu.memory_space<vmem>>
    %dma_start3A_30 = tpu.memref_squeeze %dma_start3A_29 : memref<1x128xi32, #tpu.memory_space<vmem>> -> memref<128xi32, #tpu.memory_space<vmem>>
    %dma_start3A_31 = arith.constant 0 : i32
    %dma_start3A_32 = arith.constant 0 : i32
    %dma_start3A_33 = tpu.memref_slice %arg5[%dma_start3A_31, %dma_start3A_32] : memref<2048x64xf32, #tpu.memory_space<hbm>> -> memref<2048x64xf32, #tpu.memory_space<hbm>>
    tpu.enqueue_indirect_dma source(%dma_start3A_33 : memref<2048x64xf32, #tpu.memory_space<hbm>>) target(%dma_start3A_27 : memref<128x64xf32, #tpu.memory_space<vmem>>) offsets(%dma_start3A_30 : memref<128xi32, #tpu.memory_space<vmem>>) semaphore(%arg13 : memref<!tpu.dma_semaphore, #tpu.memory_space<semaphore_mem>>)
    %dma_start3A_34 = arith.constant 1 : i32
    %dma_start3A_35 = arith.constant 0 : i32
    %dma_start3A_36 = arith.constant 0 : i32
    %dma_start3A_37 = arith.constant 0 : i32
    %dma_start3A_38 = tpu.memref_slice %arg9[%dma_start3A_35, %dma_start3A_36, %dma_start3A_37] : memref<2x256x64xf32, #tpu.memory_space<vmem>> -> memref<1x256x64xf32, #tpu.memory_space<vmem>>
    %dma_start3A_39 = tpu.memref_squeeze %dma_start3A_38 : memref<1x256x64xf32, #tpu.memory_space<vmem>> -> memref<256x64xf32, #tpu.memory_space<vmem>>
    %dma_start3A_40 = arith.constant 128 : i32
    %dma_start3A_41 = arith.constant 0 : i32
    %dma_start3A_42 = tpu.memref_slice %dma_start3A_39[%dma_start3A_40, %dma_start3A_41] : memref<256x64xf32, #tpu.memory_space<vmem>> -> memref<128x64xf32, #tpu.memory_space<vmem>>
    %dma_start3A_43 = arith.constant 0 : i32
    %dma_start3A_44 = tpu.memref_slice %arg7[%dma_start3A_34, %dma_start3A_43] : memref<200x128xi32, #tpu.memory_space<vmem>> -> memref<1x128xi32, #tpu.memory_space<vmem>>
    %dma_start3A_45 = tpu.memref_squeeze %dma_start3A_44 : memref<1x128xi32, #tpu.memory_space<vmem>> -> memref<128xi32, #tpu.memory_space<vmem>>
    %dma_start3A_46 = arith.constant 0 : i32
    %dma_start3A_47 = arith.constant 0 : i32
    %dma_start3A_48 = tpu.memref_slice %arg4[%dma_start3A_46, %dma_start3A_47] : memref<1000000x64xf32, #tpu.memory_space<hbm>> -> memref<1000000x64xf32, #tpu.memory_space<hbm>>
    tpu.enqueue_indirect_dma source(%dma_start3A_48 : memref<1000000x64xf32, #tpu.memory_space<hbm>>) target(%dma_start3A_42 : memref<128x64xf32, #tpu.memory_space<vmem>>) offsets(%dma_start3A_45 : memref<128xi32, #tpu.memory_space<vmem>>) semaphore(%arg11 : memref<!tpu.dma_semaphore, #tpu.memory_space<semaphore_mem>>)
    %dma_start3A_49 = arith.constant 1 : i32
    %dma_start3A_50 = arith.constant 0 : i32
    %dma_start3A_51 = arith.constant 0 : i32
    %dma_start3A_52 = arith.constant 0 : i32
    %dma_start3A_53 = tpu.memref_slice %arg10[%dma_start3A_50, %dma_start3A_51, %dma_start3A_52] : memref<2x256x64xf32, #tpu.memory_space<vmem>> -> memref<1x256x64xf32, #tpu.memory_space<vmem>>
    %dma_start3A_54 = tpu.memref_squeeze %dma_start3A_53 : memref<1x256x64xf32, #tpu.memory_space<vmem>> -> memref<256x64xf32, #tpu.memory_space<vmem>>
    %dma_start3A_55 = arith.constant 128 : i32
    %dma_start3A_56 = arith.constant 0 : i32
    %dma_start3A_57 = tpu.memref_slice %dma_start3A_54[%dma_start3A_55, %dma_start3A_56] : memref<256x64xf32, #tpu.memory_space<vmem>> -> memref<128x64xf32, #tpu.memory_space<vmem>>
    %dma_start3A_58 = arith.constant 0 : i32
    %dma_start3A_59 = tpu.memref_slice %arg8[%dma_start3A_49, %dma_start3A_58] : memref<200x128xi32, #tpu.memory_space<vmem>> -> memref<1x128xi32, #tpu.memory_space<vmem>>
    %dma_start3A_60 = tpu.memref_squeeze %dma_start3A_59 : memref<1x128xi32, #tpu.memory_space<vmem>> -> memref<128xi32, #tpu.memory_space<vmem>>
    %dma_start3A_61 = arith.constant 0 : i32
    %dma_start3A_62 = arith.constant 0 : i32
    %dma_start3A_63 = tpu.memref_slice %arg5[%dma_start3A_61, %dma_start3A_62] : memref<2048x64xf32, #tpu.memory_space<hbm>> -> memref<2048x64xf32, #tpu.memory_space<hbm>>
    tpu.enqueue_indirect_dma source(%dma_start3A_63 : memref<2048x64xf32, #tpu.memory_space<hbm>>) target(%dma_start3A_57 : memref<128x64xf32, #tpu.memory_space<vmem>>) offsets(%dma_start3A_60 : memref<128xi32, #tpu.memory_space<vmem>>) semaphore(%arg13 : memref<!tpu.dma_semaphore, #tpu.memory_space<semaphore_mem>>)
    %dma_start3A_64 = arith.constant 2 : i32
    %dma_start3A_65 = arith.constant 1 : i32
    %dma_start3A_66 = arith.constant 0 : i32
    %dma_start3A_67 = arith.constant 0 : i32
    %dma_start3A_68 = tpu.memref_slice %arg9[%dma_start3A_65, %dma_start3A_66, %dma_start3A_67] : memref<2x256x64xf32, #tpu.memory_space<vmem>> -> memref<1x256x64xf32, #tpu.memory_space<vmem>>
    %dma_start3A_69 = tpu.memref_squeeze %dma_start3A_68 : memref<1x256x64xf32, #tpu.memory_space<vmem>> -> memref<256x64xf32, #tpu.memory_space<vmem>>
    %dma_start3A_70 = arith.constant 0 : i32
    %dma_start3A_71 = arith.constant 0 : i32
    %dma_start3A_72 = tpu.memref_slice %dma_start3A_69[%dma_start3A_70, %dma_start3A_71] : memref<256x64xf32, #tpu.memory_space<vmem>> -> memref<128x64xf32, #tpu.memory_space<vmem>>
    %dma_start3A_73 = arith.constant 0 : i32
    %dma_start3A_74 = tpu.memref_slice %arg7[%dma_start3A_64, %dma_start3A_73] : memref<200x128xi32, #tpu.memory_space<vmem>> -> memref<1x128xi32, #tpu.memory_space<vmem>>
    %dma_start3A_75 = tpu.memref_squeeze %dma_start3A_74 : memref<1x128xi32, #tpu.memory_space<vmem>> -> memref<128xi32, #tpu.memory_space<vmem>>
    %dma_start3A_76 = arith.constant 0 : i32
    %dma_start3A_77 = arith.constant 0 : i32
    %dma_start3A_78 = tpu.memref_slice %arg4[%dma_start3A_76, %dma_start3A_77] : memref<1000000x64xf32, #tpu.memory_space<hbm>> -> memref<1000000x64xf32, #tpu.memory_space<hbm>>
    tpu.enqueue_indirect_dma source(%dma_start3A_78 : memref<1000000x64xf32, #tpu.memory_space<hbm>>) target(%dma_start3A_72 : memref<128x64xf32, #tpu.memory_space<vmem>>) offsets(%dma_start3A_75 : memref<128xi32, #tpu.memory_space<vmem>>) semaphore(%arg12 : memref<!tpu.dma_semaphore, #tpu.memory_space<semaphore_mem>>)
    %dma_start3A_79 = arith.constant 2 : i32
    %dma_start3A_80 = arith.constant 1 : i32
    %dma_start3A_81 = arith.constant 0 : i32
    %dma_start3A_82 = arith.constant 0 : i32
    %dma_start3A_83 = tpu.memref_slice %arg10[%dma_start3A_80, %dma_start3A_81, %dma_start3A_82] : memref<2x256x64xf32, #tpu.memory_space<vmem>> -> memref<1x256x64xf32, #tpu.memory_space<vmem>>
    %dma_start3A_84 = tpu.memref_squeeze %dma_start3A_83 : memref<1x256x64xf32, #tpu.memory_space<vmem>> -> memref<256x64xf32, #tpu.memory_space<vmem>>
    %dma_start3A_85 = arith.constant 0 : i32
    %dma_start3A_86 = arith.constant 0 : i32
    %dma_start3A_87 = tpu.memref_slice %dma_start3A_84[%dma_start3A_85, %dma_start3A_86] : memref<256x64xf32, #tpu.memory_space<vmem>> -> memref<128x64xf32, #tpu.memory_space<vmem>>
    %dma_start3A_88 = arith.constant 0 : i32
    %dma_start3A_89 = tpu.memref_slice %arg8[%dma_start3A_79, %dma_start3A_88] : memref<200x128xi32, #tpu.memory_space<vmem>> -> memref<1x128xi32, #tpu.memory_space<vmem>>
    %dma_start3A_90 = tpu.memref_squeeze %dma_start3A_89 : memref<1x128xi32, #tpu.memory_space<vmem>> -> memref<128xi32, #tpu.memory_space<vmem>>
    %dma_start3A_91 = arith.constant 0 : i32
    %dma_start3A_92 = arith.constant 0 : i32
    %dma_start3A_93 = tpu.memref_slice %arg5[%dma_start3A_91, %dma_start3A_92] : memref<2048x64xf32, #tpu.memory_space<hbm>> -> memref<2048x64xf32, #tpu.memory_space<hbm>>
    tpu.enqueue_indirect_dma source(%dma_start3A_93 : memref<2048x64xf32, #tpu.memory_space<hbm>>) target(%dma_start3A_87 : memref<128x64xf32, #tpu.memory_space<vmem>>) offsets(%dma_start3A_90 : memref<128xi32, #tpu.memory_space<vmem>>) semaphore(%arg14 : memref<!tpu.dma_semaphore, #tpu.memory_space<semaphore_mem>>)
    %dma_start3A_94 = arith.constant 3 : i32
    %dma_start3A_95 = arith.constant 1 : i32
    %dma_start3A_96 = arith.constant 0 : i32
    %dma_start3A_97 = arith.constant 0 : i32
    %dma_start3A_98 = tpu.memref_slice %arg9[%dma_start3A_95, %dma_start3A_96, %dma_start3A_97] : memref<2x256x64xf32, #tpu.memory_space<vmem>> -> memref<1x256x64xf32, #tpu.memory_space<vmem>>
    %dma_start3A_99 = tpu.memref_squeeze %dma_start3A_98 : memref<1x256x64xf32, #tpu.memory_space<vmem>> -> memref<256x64xf32, #tpu.memory_space<vmem>>
    %dma_start3A_100 = arith.constant 128 : i32
    %dma_start3A_101 = arith.constant 0 : i32
    %dma_start3A_102 = tpu.memref_slice %dma_start3A_99[%dma_start3A_100, %dma_start3A_101] : memref<256x64xf32, #tpu.memory_space<vmem>> -> memref<128x64xf32, #tpu.memory_space<vmem>>
    %dma_start3A_103 = arith.constant 0 : i32
    %dma_start3A_104 = tpu.memref_slice %arg7[%dma_start3A_94, %dma_start3A_103] : memref<200x128xi32, #tpu.memory_space<vmem>> -> memref<1x128xi32, #tpu.memory_space<vmem>>
    %dma_start3A_105 = tpu.memref_squeeze %dma_start3A_104 : memref<1x128xi32, #tpu.memory_space<vmem>> -> memref<128xi32, #tpu.memory_space<vmem>>
    %dma_start3A_106 = arith.constant 0 : i32
    %dma_start3A_107 = arith.constant 0 : i32
    %dma_start3A_108 = tpu.memref_slice %arg4[%dma_start3A_106, %dma_start3A_107] : memref<1000000x64xf32, #tpu.memory_space<hbm>> -> memref<1000000x64xf32, #tpu.memory_space<hbm>>
    tpu.enqueue_indirect_dma source(%dma_start3A_108 : memref<1000000x64xf32, #tpu.memory_space<hbm>>) target(%dma_start3A_102 : memref<128x64xf32, #tpu.memory_space<vmem>>) offsets(%dma_start3A_105 : memref<128xi32, #tpu.memory_space<vmem>>) semaphore(%arg12 : memref<!tpu.dma_semaphore, #tpu.memory_space<semaphore_mem>>)
    %dma_start3A_109 = arith.constant 3 : i32
    %dma_start3A_110 = arith.constant 1 : i32
    %dma_start3A_111 = arith.constant 0 : i32
    %dma_start3A_112 = arith.constant 0 : i32
    %dma_start3A_113 = tpu.memref_slice %arg10[%dma_start3A_110, %dma_start3A_111, %dma_start3A_112] : memref<2x256x64xf32, #tpu.memory_space<vmem>> -> memref<1x256x64xf32, #tpu.memory_space<vmem>>
    %dma_start3A_114 = tpu.memref_squeeze %dma_start3A_113 : memref<1x256x64xf32, #tpu.memory_space<vmem>> -> memref<256x64xf32, #tpu.memory_space<vmem>>
    %dma_start3A_115 = arith.constant 128 : i32
    %dma_start3A_116 = arith.constant 0 : i32
    %dma_start3A_117 = tpu.memref_slice %dma_start3A_114[%dma_start3A_115, %dma_start3A_116] : memref<256x64xf32, #tpu.memory_space<vmem>> -> memref<128x64xf32, #tpu.memory_space<vmem>>
    %dma_start3A_118 = arith.constant 0 : i32
    %dma_start3A_119 = tpu.memref_slice %arg8[%dma_start3A_109, %dma_start3A_118] : memref<200x128xi32, #tpu.memory_space<vmem>> -> memref<1x128xi32, #tpu.memory_space<vmem>>
    %dma_start3A_120 = tpu.memref_squeeze %dma_start3A_119 : memref<1x128xi32, #tpu.memory_space<vmem>> -> memref<128xi32, #tpu.memory_space<vmem>>
    %dma_start3A_121 = arith.constant 0 : i32
    %dma_start3A_122 = arith.constant 0 : i32
    %dma_start3A_123 = tpu.memref_slice %arg5[%dma_start3A_121, %dma_start3A_122] : memref<2048x64xf32, #tpu.memory_space<hbm>> -> memref<2048x64xf32, #tpu.memory_space<hbm>>
    tpu.enqueue_indirect_dma source(%dma_start3A_123 : memref<2048x64xf32, #tpu.memory_space<hbm>>) target(%dma_start3A_117 : memref<128x64xf32, #tpu.memory_space<vmem>>) offsets(%dma_start3A_120 : memref<128xi32, #tpu.memory_space<vmem>>) semaphore(%arg14 : memref<!tpu.dma_semaphore, #tpu.memory_space<semaphore_mem>>)
    %add3A_124 = arith.constant 0 : i32
    %add3A_125 = arith.addi %mul3A_2, %add3A_124 : i32
    %dma_wait3A = arith.constant 0 : i32
    %dma_wait3A_126 = arith.constant 0 : i32
    %dma_wait3A_127 = arith.constant 0 : i32
    %dma_wait3A_128 = arith.constant 0 : i32
    %dma_wait3A_129 = tpu.memref_slice %arg9[%dma_wait3A_126, %dma_wait3A_127, %dma_wait3A_128] : memref<2x256x64xf32, #tpu.memory_space<vmem>> -> memref<1x256x64xf32, #tpu.memory_space<vmem>>
    %dma_wait3A_130 = tpu.memref_squeeze %dma_wait3A_129 : memref<1x256x64xf32, #tpu.memory_space<vmem>> -> memref<256x64xf32, #tpu.memory_space<vmem>>
    %dma_wait3A_131 = arith.constant 0 : i32
    %dma_wait3A_132 = arith.constant 0 : i32
    %dma_wait3A_133 = tpu.memref_slice %dma_wait3A_130[%dma_wait3A_131, %dma_wait3A_132] : memref<256x64xf32, #tpu.memory_space<vmem>> -> memref<128x64xf32, #tpu.memory_space<vmem>>
    %dma_wait3A_134 = arith.constant 0 : i32
    %dma_wait3A_135 = tpu.memref_slice %arg7[%dma_wait3A, %dma_wait3A_134] : memref<200x128xi32, #tpu.memory_space<vmem>> -> memref<1x128xi32, #tpu.memory_space<vmem>>
    %dma_wait3A_136 = tpu.memref_squeeze %dma_wait3A_135 : memref<1x128xi32, #tpu.memory_space<vmem>> -> memref<128xi32, #tpu.memory_space<vmem>>
    %dma_wait3A_137 = arith.constant 0 : i32
    %dma_wait3A_138 = arith.constant 0 : i32
    %dma_wait3A_139 = tpu.memref_slice %arg4[%dma_wait3A_137, %dma_wait3A_138] : memref<1000000x64xf32, #tpu.memory_space<hbm>> -> memref<1000000x64xf32, #tpu.memory_space<hbm>>
    tpu.wait_indirect_dma semaphore(%arg11 : memref<!tpu.dma_semaphore, #tpu.memory_space<semaphore_mem>>) src(%dma_wait3A_139 : memref<1000000x64xf32, #tpu.memory_space<hbm>>) dst(%dma_wait3A_133 : memref<128x64xf32, #tpu.memory_space<vmem>>)
    %dma_wait3A_140 = arith.constant 1 : i32
    %dma_wait3A_141 = arith.constant 0 : i32
    %dma_wait3A_142 = arith.constant 0 : i32
    %dma_wait3A_143 = arith.constant 0 : i32
    %dma_wait3A_144 = tpu.memref_slice %arg9[%dma_wait3A_141, %dma_wait3A_142, %dma_wait3A_143] : memref<2x256x64xf32, #tpu.memory_space<vmem>> -> memref<1x256x64xf32, #tpu.memory_space<vmem>>
    %dma_wait3A_145 = tpu.memref_squeeze %dma_wait3A_144 : memref<1x256x64xf32, #tpu.memory_space<vmem>> -> memref<256x64xf32, #tpu.memory_space<vmem>>
    %dma_wait3A_146 = arith.constant 128 : i32
    %dma_wait3A_147 = arith.constant 0 : i32
    %dma_wait3A_148 = tpu.memref_slice %dma_wait3A_145[%dma_wait3A_146, %dma_wait3A_147] : memref<256x64xf32, #tpu.memory_space<vmem>> -> memref<128x64xf32, #tpu.memory_space<vmem>>
    %dma_wait3A_149 = arith.constant 0 : i32
    %dma_wait3A_150 = tpu.memref_slice %arg7[%dma_wait3A_140, %dma_wait3A_149] : memref<200x128xi32, #tpu.memory_space<vmem>> -> memref<1x128xi32, #tpu.memory_space<vmem>>
    %dma_wait3A_151 = tpu.memref_squeeze %dma_wait3A_150 : memref<1x128xi32, #tpu.memory_space<vmem>> -> memref<128xi32, #tpu.memory_space<vmem>>
    %dma_wait3A_152 = arith.constant 0 : i32
    %dma_wait3A_153 = arith.constant 0 : i32
    %dma_wait3A_154 = tpu.memref_slice %arg4[%dma_wait3A_152, %dma_wait3A_153] : memref<1000000x64xf32, #tpu.memory_space<hbm>> -> memref<1000000x64xf32, #tpu.memory_space<hbm>>
    tpu.wait_indirect_dma semaphore(%arg11 : memref<!tpu.dma_semaphore, #tpu.memory_space<semaphore_mem>>) src(%dma_wait3A_154 : memref<1000000x64xf32, #tpu.memory_space<hbm>>) dst(%dma_wait3A_148 : memref<128x64xf32, #tpu.memory_space<vmem>>)
    %dma_start3A_155 = arith.constant 0 : i32
    %dma_start3A_156 = arith.constant 0 : i32
    %dma_start3A_157 = arith.constant 0 : i32
    %dma_start3A_158 = tpu.memref_slice %arg9[%dma_start3A_155, %dma_start3A_156, %dma_start3A_157] : memref<2x256x64xf32, #tpu.memory_space<vmem>> -> memref<1x256x64xf32, #tpu.memory_space<vmem>>
    %dma_start3A_159 = tpu.memref_squeeze %dma_start3A_158 : memref<1x256x64xf32, #tpu.memory_space<vmem>> -> memref<256x64xf32, #tpu.memory_space<vmem>>
    %dma_start3A_160 = arith.constant 0 : i32
    %dma_start3A_161 = tpu.memref_slice %arg6[%add3A_125, %dma_start3A_160] : memref<819200x128xf32, #tpu.memory_space<hbm>> -> memref<256x64xf32, #tpu.memory_space<hbm>>
    %dma_start3A_162 = arith.constant 0 : i32
    %dma_start3A_163 = tpu.memref_slice %arg6[%add3A_125, %dma_start3A_162] : memref<819200x128xf32, #tpu.memory_space<hbm>> -> memref<256x64xf32, #tpu.memory_space<hbm>>
    %dma_start3A_164 = arith.constant 0 : i32
    %dma_start3A_165 = arith.constant 0 : i32
    %dma_start3A_166 = tpu.memref_slice %arg9[%dma_start3A_155, %dma_start3A_164, %dma_start3A_165] : memref<2x256x64xf32, #tpu.memory_space<vmem>> -> memref<1x256x64xf32, #tpu.memory_space<vmem>>
    %dma_start3A_167 = tpu.memref_squeeze %dma_start3A_166 : memref<1x256x64xf32, #tpu.memory_space<vmem>> -> memref<256x64xf32, #tpu.memory_space<vmem>>
    tpu.enqueue_dma source(%dma_start3A_167 : memref<256x64xf32, #tpu.memory_space<vmem>>) target(%dma_start3A_163 : memref<256x64xf32, #tpu.memory_space<hbm>>) target_semaphore(%arg15 : memref<!tpu.dma_semaphore, #tpu.memory_space<semaphore_mem>>)
    %dma_wait3A_168 = arith.constant 0 : i32
    %dma_wait3A_169 = arith.constant 0 : i32
    %dma_wait3A_170 = arith.constant 0 : i32
    %dma_wait3A_171 = arith.constant 0 : i32
    %dma_wait3A_172 = tpu.memref_slice %arg10[%dma_wait3A_169, %dma_wait3A_170, %dma_wait3A_171] : memref<2x256x64xf32, #tpu.memory_space<vmem>> -> memref<1x256x64xf32, #tpu.memory_space<vmem>>
    %dma_wait3A_173 = tpu.memref_squeeze %dma_wait3A_172 : memref<1x256x64xf32, #tpu.memory_space<vmem>> -> memref<256x64xf32, #tpu.memory_space<vmem>>
    %dma_wait3A_174 = arith.constant 0 : i32
    %dma_wait3A_175 = arith.constant 0 : i32
    %dma_wait3A_176 = tpu.memref_slice %dma_wait3A_173[%dma_wait3A_174, %dma_wait3A_175] : memref<256x64xf32, #tpu.memory_space<vmem>> -> memref<128x64xf32, #tpu.memory_space<vmem>>
    %dma_wait3A_177 = arith.constant 0 : i32
    %dma_wait3A_178 = tpu.memref_slice %arg8[%dma_wait3A_168, %dma_wait3A_177] : memref<200x128xi32, #tpu.memory_space<vmem>> -> memref<1x128xi32, #tpu.memory_space<vmem>>
    %dma_wait3A_179 = tpu.memref_squeeze %dma_wait3A_178 : memref<1x128xi32, #tpu.memory_space<vmem>> -> memref<128xi32, #tpu.memory_space<vmem>>
    %dma_wait3A_180 = arith.constant 0 : i32
    %dma_wait3A_181 = arith.constant 0 : i32
    %dma_wait3A_182 = tpu.memref_slice %arg5[%dma_wait3A_180, %dma_wait3A_181] : memref<2048x64xf32, #tpu.memory_space<hbm>> -> memref<2048x64xf32, #tpu.memory_space<hbm>>
    tpu.wait_indirect_dma semaphore(%arg13 : memref<!tpu.dma_semaphore, #tpu.memory_space<semaphore_mem>>) src(%dma_wait3A_182 : memref<2048x64xf32, #tpu.memory_space<hbm>>) dst(%dma_wait3A_176 : memref<128x64xf32, #tpu.memory_space<vmem>>)
    %dma_wait3A_183 = arith.constant 1 : i32
    %dma_wait3A_184 = arith.constant 0 : i32
    %dma_wait3A_185 = arith.constant 0 : i32
    %dma_wait3A_186 = arith.constant 0 : i32
    %dma_wait3A_187 = tpu.memref_slice %arg10[%dma_wait3A_184, %dma_wait3A_185, %dma_wait3A_186] : memref<2x256x64xf32, #tpu.memory_space<vmem>> -> memref<1x256x64xf32, #tpu.memory_space<vmem>>
    %dma_wait3A_188 = tpu.memref_squeeze %dma_wait3A_187 : memref<1x256x64xf32, #tpu.memory_space<vmem>> -> memref<256x64xf32, #tpu.memory_space<vmem>>
    %dma_wait3A_189 = arith.constant 128 : i32
    %dma_wait3A_190 = arith.constant 0 : i32
    %dma_wait3A_191 = tpu.memref_slice %dma_wait3A_188[%dma_wait3A_189, %dma_wait3A_190] : memref<256x64xf32, #tpu.memory_space<vmem>> -> memref<128x64xf32, #tpu.memory_space<vmem>>
    %dma_wait3A_192 = arith.constant 0 : i32
    %dma_wait3A_193 = tpu.memref_slice %arg8[%dma_wait3A_183, %dma_wait3A_192] : memref<200x128xi32, #tpu.memory_space<vmem>> -> memref<1x128xi32, #tpu.memory_space<vmem>>
    %dma_wait3A_194 = tpu.memref_squeeze %dma_wait3A_193 : memref<1x128xi32, #tpu.memory_space<vmem>> -> memref<128xi32, #tpu.memory_space<vmem>>
    %dma_wait3A_195 = arith.constant 0 : i32
    %dma_wait3A_196 = arith.constant 0 : i32
    %dma_wait3A_197 = tpu.memref_slice %arg5[%dma_wait3A_195, %dma_wait3A_196] : memref<2048x64xf32, #tpu.memory_space<hbm>> -> memref<2048x64xf32, #tpu.memory_space<hbm>>
    tpu.wait_indirect_dma semaphore(%arg13 : memref<!tpu.dma_semaphore, #tpu.memory_space<semaphore_mem>>) src(%dma_wait3A_197 : memref<2048x64xf32, #tpu.memory_space<hbm>>) dst(%dma_wait3A_191 : memref<128x64xf32, #tpu.memory_space<vmem>>)
    %dma_start3A_198 = arith.constant 0 : i32
    %dma_start3A_199 = arith.constant 0 : i32
    %dma_start3A_200 = arith.constant 0 : i32
    %dma_start3A_201 = tpu.memref_slice %arg10[%dma_start3A_198, %dma_start3A_199, %dma_start3A_200] : memref<2x256x64xf32, #tpu.memory_space<vmem>> -> memref<1x256x64xf32, #tpu.memory_space<vmem>>
    %dma_start3A_202 = tpu.memref_squeeze %dma_start3A_201 : memref<1x256x64xf32, #tpu.memory_space<vmem>> -> memref<256x64xf32, #tpu.memory_space<vmem>>
    %dma_start3A_203 = arith.constant 64 : i32
    %dma_start3A_204 = tpu.memref_slice %arg6[%add3A_125, %dma_start3A_203] : memref<819200x128xf32, #tpu.memory_space<hbm>> -> memref<256x64xf32, #tpu.memory_space<hbm>>
    %dma_start3A_205 = arith.constant 64 : i32
    %dma_start3A_206 = tpu.memref_slice %arg6[%add3A_125, %dma_start3A_205] : memref<819200x128xf32, #tpu.memory_space<hbm>> -> memref<256x64xf32, #tpu.memory_space<hbm>>
    %dma_start3A_207 = arith.constant 0 : i32
    %dma_start3A_208 = arith.constant 0 : i32
    %dma_start3A_209 = tpu.memref_slice %arg10[%dma_start3A_198, %dma_start3A_207, %dma_start3A_208] : memref<2x256x64xf32, #tpu.memory_space<vmem>> -> memref<1x256x64xf32, #tpu.memory_space<vmem>>
    %dma_start3A_210 = tpu.memref_squeeze %dma_start3A_209 : memref<1x256x64xf32, #tpu.memory_space<vmem>> -> memref<256x64xf32, #tpu.memory_space<vmem>>
    tpu.enqueue_dma source(%dma_start3A_210 : memref<256x64xf32, #tpu.memory_space<vmem>>) target(%dma_start3A_206 : memref<256x64xf32, #tpu.memory_space<hbm>>) target_semaphore(%arg15 : memref<!tpu.dma_semaphore, #tpu.memory_space<semaphore_mem>>)
    %scan3A = arith.constant 0 : i32
    %scan3A_211 = arith.constant 49 : i32
    %scan3A_212 = arith.addi %scan3A, %scan3A_211 : i32
    %scan3A_213 = arith.constant 1 : i32
    scf.for %scan3A_355 = %scan3A to %scan3A_212 step %scan3A_213  : i32 {
      %mul3A_356 = arith.constant 2 : i32
      %mul3A_357 = arith.muli %scan3A_355, %mul3A_356 : i32
      %add3A_358 = arith.constant 2 : i32
      %add3A_359 = arith.addi %add3A_358, %mul3A_357 : i32
      %add3A_360 = arith.constant 0 : i32
      %add3A_361 = arith.addi %add3A_359, %add3A_360 : i32
      %dma_wait3A_362 = arith.constant 0 : i32
      %dma_wait3A_363 = arith.constant 0 : i32
      %dma_wait3A_364 = arith.constant 0 : i32
      %dma_wait3A_365 = tpu.memref_slice %arg9[%dma_wait3A_362, %dma_wait3A_363, %dma_wait3A_364] : memref<2x256x64xf32, #tpu.memory_space<vmem>> -> memref<1x256x64xf32, #tpu.memory_space<vmem>>
      %dma_wait3A_366 = tpu.memref_squeeze %dma_wait3A_365 : memref<1x256x64xf32, #tpu.memory_space<vmem>> -> memref<256x64xf32, #tpu.memory_space<vmem>>
      %dma_wait3A_367 = arith.constant 0 : i32
      %dma_wait3A_368 = tpu.memref_slice %arg6[%mul3A_2, %dma_wait3A_367] : memref<819200x128xf32, #tpu.memory_space<hbm>> -> memref<256x64xf32, #tpu.memory_space<hbm>>
      %dma_wait3A_369 = arith.constant 0 : i32
      %dma_wait3A_370 = tpu.memref_slice %arg6[%mul3A_2, %dma_wait3A_369] : memref<819200x128xf32, #tpu.memory_space<hbm>> -> memref<256x64xf32, #tpu.memory_space<hbm>>
      %dma_wait3A_371 = arith.constant 0 : i32
      %dma_wait3A_372 = arith.constant 0 : i32
      %dma_wait3A_373 = tpu.memref_slice %arg9[%dma_wait3A_362, %dma_wait3A_371, %dma_wait3A_372] : memref<2x256x64xf32, #tpu.memory_space<vmem>> -> memref<1x256x64xf32, #tpu.memory_space<vmem>>
      %dma_wait3A_374 = tpu.memref_squeeze %dma_wait3A_373 : memref<1x256x64xf32, #tpu.memory_space<vmem>> -> memref<256x64xf32, #tpu.memory_space<vmem>>
      tpu.wait_dma2 semaphore(%arg15 : memref<!tpu.dma_semaphore, #tpu.memory_space<semaphore_mem>>) src(%dma_wait3A_374 : memref<256x64xf32, #tpu.memory_space<vmem>>) dst(%dma_wait3A_370 : memref<256x64xf32, #tpu.memory_space<hbm>>)
      %dma_wait3A_375 = arith.constant 0 : i32
      %dma_wait3A_376 = arith.constant 0 : i32
      %dma_wait3A_377 = arith.constant 0 : i32
      %dma_wait3A_378 = tpu.memref_slice %arg10[%dma_wait3A_375, %dma_wait3A_376, %dma_wait3A_377] : memref<2x256x64xf32, #tpu.memory_space<vmem>> -> memref<1x256x64xf32, #tpu.memory_space<vmem>>
      %dma_wait3A_379 = tpu.memref_squeeze %dma_wait3A_378 : memref<1x256x64xf32, #tpu.memory_space<vmem>> -> memref<256x64xf32, #tpu.memory_space<vmem>>
      %dma_wait3A_380 = arith.constant 64 : i32
      %dma_wait3A_381 = tpu.memref_slice %arg6[%mul3A_2, %dma_wait3A_380] : memref<819200x128xf32, #tpu.memory_space<hbm>> -> memref<256x64xf32, #tpu.memory_space<hbm>>
      %dma_wait3A_382 = arith.constant 64 : i32
      %dma_wait3A_383 = tpu.memref_slice %arg6[%mul3A_2, %dma_wait3A_382] : memref<819200x128xf32, #tpu.memory_space<hbm>> -> memref<256x64xf32, #tpu.memory_space<hbm>>
      %dma_wait3A_384 = arith.constant 0 : i32
      %dma_wait3A_385 = arith.constant 0 : i32
      %dma_wait3A_386 = tpu.memref_slice %arg10[%dma_wait3A_375, %dma_wait3A_384, %dma_wait3A_385] : memref<2x256x64xf32, #tpu.memory_space<vmem>> -> memref<1x256x64xf32, #tpu.memory_space<vmem>>
      %dma_wait3A_387 = tpu.memref_squeeze %dma_wait3A_386 : memref<1x256x64xf32, #tpu.memory_space<vmem>> -> memref<256x64xf32, #tpu.memory_space<vmem>>
      tpu.wait_dma2 semaphore(%arg15 : memref<!tpu.dma_semaphore, #tpu.memory_space<semaphore_mem>>) src(%dma_wait3A_387 : memref<256x64xf32, #tpu.memory_space<vmem>>) dst(%dma_wait3A_383 : memref<256x64xf32, #tpu.memory_space<hbm>>)
      %mul3A_388 = arith.constant 2 : i32
      %mul3A_389 = arith.muli %add3A_361, %mul3A_388 : i32
      %add3A_390 = arith.constant 0 : i32
      %add3A_391 = arith.addi %mul3A_389, %add3A_390 : i32
      %dma_start3A_392 = arith.constant 0 : i32
      %dma_start3A_393 = arith.constant 0 : i32
      %dma_start3A_394 = arith.constant 0 : i32
      %dma_start3A_395 = tpu.memref_slice %arg9[%dma_start3A_392, %dma_start3A_393, %dma_start3A_394] : memref<2x256x64xf32, #tpu.memory_space<vmem>> -> memref<1x256x64xf32, #tpu.memory_space<vmem>>
      %dma_start3A_396 = tpu.memref_squeeze %dma_start3A_395 : memref<1x256x64xf32, #tpu.memory_space<vmem>> -> memref<256x64xf32, #tpu.memory_space<vmem>>
      %dma_start3A_397 = arith.constant 0 : i32
      %dma_start3A_398 = arith.constant 0 : i32
      %dma_start3A_399 = tpu.memref_slice %dma_start3A_396[%dma_start3A_397, %dma_start3A_398] : memref<256x64xf32, #tpu.memory_space<vmem>> -> memref<128x64xf32, #tpu.memory_space<vmem>>
      %dma_start3A_400 = arith.constant 0 : i32
      %dma_start3A_401 = tpu.memref_slice %arg7[%add3A_391, %dma_start3A_400] : memref<200x128xi32, #tpu.memory_space<vmem>> -> memref<1x128xi32, #tpu.memory_space<vmem>>
      %dma_start3A_402 = tpu.memref_squeeze %dma_start3A_401 : memref<1x128xi32, #tpu.memory_space<vmem>> -> memref<128xi32, #tpu.memory_space<vmem>>
      %dma_start3A_403 = arith.constant 0 : i32
      %dma_start3A_404 = arith.constant 0 : i32
      %dma_start3A_405 = tpu.memref_slice %arg4[%dma_start3A_403, %dma_start3A_404] : memref<1000000x64xf32, #tpu.memory_space<hbm>> -> memref<1000000x64xf32, #tpu.memory_space<hbm>>
      tpu.enqueue_indirect_dma source(%dma_start3A_405 : memref<1000000x64xf32, #tpu.memory_space<hbm>>) target(%dma_start3A_399 : memref<128x64xf32, #tpu.memory_space<vmem>>) offsets(%dma_start3A_402 : memref<128xi32, #tpu.memory_space<vmem>>) semaphore(%arg11 : memref<!tpu.dma_semaphore, #tpu.memory_space<semaphore_mem>>)
      %dma_start3A_406 = arith.constant 0 : i32
      %dma_start3A_407 = arith.constant 0 : i32
      %dma_start3A_408 = arith.constant 0 : i32
      %dma_start3A_409 = tpu.memref_slice %arg10[%dma_start3A_406, %dma_start3A_407, %dma_start3A_408] : memref<2x256x64xf32, #tpu.memory_space<vmem>> -> memref<1x256x64xf32, #tpu.memory_space<vmem>>
      %dma_start3A_410 = tpu.memref_squeeze %dma_start3A_409 : memref<1x256x64xf32, #tpu.memory_space<vmem>> -> memref<256x64xf32, #tpu.memory_space<vmem>>
      %dma_start3A_411 = arith.constant 0 : i32
      %dma_start3A_412 = arith.constant 0 : i32
      %dma_start3A_413 = tpu.memref_slice %dma_start3A_410[%dma_start3A_411, %dma_start3A_412] : memref<256x64xf32, #tpu.memory_space<vmem>> -> memref<128x64xf32, #tpu.memory_space<vmem>>
      %dma_start3A_414 = arith.constant 0 : i32
      %dma_start3A_415 = tpu.memref_slice %arg8[%add3A_391, %dma_start3A_414] : memref<200x128xi32, #tpu.memory_space<vmem>> -> memref<1x128xi32, #tpu.memory_space<vmem>>
      %dma_start3A_416 = tpu.memref_squeeze %dma_start3A_415 : memref<1x128xi32, #tpu.memory_space<vmem>> -> memref<128xi32, #tpu.memory_space<vmem>>
      %dma_start3A_417 = arith.constant 0 : i32
      %dma_start3A_418 = arith.constant 0 : i32
      %dma_start3A_419 = tpu.memref_slice %arg5[%dma_start3A_417, %dma_start3A_418] : memref<2048x64xf32, #tpu.memory_space<hbm>> -> memref<2048x64xf32, #tpu.memory_space<hbm>>
      tpu.enqueue_indirect_dma source(%dma_start3A_419 : memref<2048x64xf32, #tpu.memory_space<hbm>>) target(%dma_start3A_413 : memref<128x64xf32, #tpu.memory_space<vmem>>) offsets(%dma_start3A_416 : memref<128xi32, #tpu.memory_space<vmem>>) semaphore(%arg13 : memref<!tpu.dma_semaphore, #tpu.memory_space<semaphore_mem>>)
      %mul3A_420 = arith.constant 2 : i32
      %mul3A_421 = arith.muli %add3A_361, %mul3A_420 : i32
      %add3A_422 = arith.constant 1 : i32
      %add3A_423 = arith.addi %mul3A_421, %add3A_422 : i32
      %dma_start3A_424 = arith.constant 0 : i32
      %dma_start3A_425 = arith.constant 0 : i32
      %dma_start3A_426 = arith.constant 0 : i32
      %dma_start3A_427 = tpu.memref_slice %arg9[%dma_start3A_424, %dma_start3A_425, %dma_start3A_426] : memref<2x256x64xf32, #tpu.memory_space<vmem>> -> memref<1x256x64xf32, #tpu.memory_space<vmem>>
      %dma_start3A_428 = tpu.memref_squeeze %dma_start3A_427 : memref<1x256x64xf32, #tpu.memory_space<vmem>> -> memref<256x64xf32, #tpu.memory_space<vmem>>
      %dma_start3A_429 = arith.constant 128 : i32
      %dma_start3A_430 = arith.constant 0 : i32
      %dma_start3A_431 = tpu.memref_slice %dma_start3A_428[%dma_start3A_429, %dma_start3A_430] : memref<256x64xf32, #tpu.memory_space<vmem>> -> memref<128x64xf32, #tpu.memory_space<vmem>>
      %dma_start3A_432 = arith.constant 0 : i32
      %dma_start3A_433 = tpu.memref_slice %arg7[%add3A_423, %dma_start3A_432] : memref<200x128xi32, #tpu.memory_space<vmem>> -> memref<1x128xi32, #tpu.memory_space<vmem>>
      %dma_start3A_434 = tpu.memref_squeeze %dma_start3A_433 : memref<1x128xi32, #tpu.memory_space<vmem>> -> memref<128xi32, #tpu.memory_space<vmem>>
      %dma_start3A_435 = arith.constant 0 : i32
      %dma_start3A_436 = arith.constant 0 : i32
      %dma_start3A_437 = tpu.memref_slice %arg4[%dma_start3A_435, %dma_start3A_436] : memref<1000000x64xf32, #tpu.memory_space<hbm>> -> memref<1000000x64xf32, #tpu.memory_space<hbm>>
      tpu.enqueue_indirect_dma source(%dma_start3A_437 : memref<1000000x64xf32, #tpu.memory_space<hbm>>) target(%dma_start3A_431 : memref<128x64xf32, #tpu.memory_space<vmem>>) offsets(%dma_start3A_434 : memref<128xi32, #tpu.memory_space<vmem>>) semaphore(%arg11 : memref<!tpu.dma_semaphore, #tpu.memory_space<semaphore_mem>>)
      %dma_start3A_438 = arith.constant 0 : i32
      %dma_start3A_439 = arith.constant 0 : i32
      %dma_start3A_440 = arith.constant 0 : i32
      %dma_start3A_441 = tpu.memref_slice %arg10[%dma_start3A_438, %dma_start3A_439, %dma_start3A_440] : memref<2x256x64xf32, #tpu.memory_space<vmem>> -> memref<1x256x64xf32, #tpu.memory_space<vmem>>
      %dma_start3A_442 = tpu.memref_squeeze %dma_start3A_441 : memref<1x256x64xf32, #tpu.memory_space<vmem>> -> memref<256x64xf32, #tpu.memory_space<vmem>>
      %dma_start3A_443 = arith.constant 128 : i32
      %dma_start3A_444 = arith.constant 0 : i32
      %dma_start3A_445 = tpu.memref_slice %dma_start3A_442[%dma_start3A_443, %dma_start3A_444] : memref<256x64xf32, #tpu.memory_space<vmem>> -> memref<128x64xf32, #tpu.memory_space<vmem>>
      %dma_start3A_446 = arith.constant 0 : i32
      %dma_start3A_447 = tpu.memref_slice %arg8[%add3A_423, %dma_start3A_446] : memref<200x128xi32, #tpu.memory_space<vmem>> -> memref<1x128xi32, #tpu.memory_space<vmem>>
      %dma_start3A_448 = tpu.memref_squeeze %dma_start3A_447 : memref<1x128xi32, #tpu.memory_space<vmem>> -> memref<128xi32, #tpu.memory_space<vmem>>
      %dma_start3A_449 = arith.constant 0 : i32
      %dma_start3A_450 = arith.constant 0 : i32
      %dma_start3A_451 = tpu.memref_slice %arg5[%dma_start3A_449, %dma_start3A_450] : memref<2048x64xf32, #tpu.memory_space<hbm>> -> memref<2048x64xf32, #tpu.memory_space<hbm>>
      tpu.enqueue_indirect_dma source(%dma_start3A_451 : memref<2048x64xf32, #tpu.memory_space<hbm>>) target(%dma_start3A_445 : memref<128x64xf32, #tpu.memory_space<vmem>>) offsets(%dma_start3A_448 : memref<128xi32, #tpu.memory_space<vmem>>) semaphore(%arg13 : memref<!tpu.dma_semaphore, #tpu.memory_space<semaphore_mem>>)
      %sub3A = arith.constant 1 : i32
      %sub3A_452 = arith.subi %add3A_361, %sub3A : i32
      %mul3A_453 = arith.constant 256 : i32
      %mul3A_454 = arith.muli %sub3A_452, %mul3A_453 : i32
      %add3A_455 = arith.addi %mul3A_2, %mul3A_454 : i32
      %dma_wait3A_456 = arith.constant 0 : i32
      %dma_wait3A_457 = arith.constant 1 : i32
      %dma_wait3A_458 = arith.constant 0 : i32
      %dma_wait3A_459 = arith.constant 0 : i32
      %dma_wait3A_460 = tpu.memref_slice %arg9[%dma_wait3A_457, %dma_wait3A_458, %dma_wait3A_459] : memref<2x256x64xf32, #tpu.memory_space<vmem>> -> memref<1x256x64xf32, #tpu.memory_space<vmem>>
      %dma_wait3A_461 = tpu.memref_squeeze %dma_wait3A_460 : memref<1x256x64xf32, #tpu.memory_space<vmem>> -> memref<256x64xf32, #tpu.memory_space<vmem>>
      %dma_wait3A_462 = arith.constant 0 : i32
      %dma_wait3A_463 = arith.constant 0 : i32
      %dma_wait3A_464 = tpu.memref_slice %dma_wait3A_461[%dma_wait3A_462, %dma_wait3A_463] : memref<256x64xf32, #tpu.memory_space<vmem>> -> memref<128x64xf32, #tpu.memory_space<vmem>>
      %dma_wait3A_465 = arith.constant 0 : i32
      %dma_wait3A_466 = tpu.memref_slice %arg7[%dma_wait3A_456, %dma_wait3A_465] : memref<200x128xi32, #tpu.memory_space<vmem>> -> memref<1x128xi32, #tpu.memory_space<vmem>>
      %dma_wait3A_467 = tpu.memref_squeeze %dma_wait3A_466 : memref<1x128xi32, #tpu.memory_space<vmem>> -> memref<128xi32, #tpu.memory_space<vmem>>
      %dma_wait3A_468 = arith.constant 0 : i32
      %dma_wait3A_469 = arith.constant 0 : i32
      %dma_wait3A_470 = tpu.memref_slice %arg4[%dma_wait3A_468, %dma_wait3A_469] : memref<1000000x64xf32, #tpu.memory_space<hbm>> -> memref<1000000x64xf32, #tpu.memory_space<hbm>>
      tpu.wait_indirect_dma semaphore(%arg12 : memref<!tpu.dma_semaphore, #tpu.memory_space<semaphore_mem>>) src(%dma_wait3A_470 : memref<1000000x64xf32, #tpu.memory_space<hbm>>) dst(%dma_wait3A_464 : memref<128x64xf32, #tpu.memory_space<vmem>>)
      %dma_wait3A_471 = arith.constant 1 : i32
      %dma_wait3A_472 = arith.constant 1 : i32
      %dma_wait3A_473 = arith.constant 0 : i32
      %dma_wait3A_474 = arith.constant 0 : i32
      %dma_wait3A_475 = tpu.memref_slice %arg9[%dma_wait3A_472, %dma_wait3A_473, %dma_wait3A_474] : memref<2x256x64xf32, #tpu.memory_space<vmem>> -> memref<1x256x64xf32, #tpu.memory_space<vmem>>
      %dma_wait3A_476 = tpu.memref_squeeze %dma_wait3A_475 : memref<1x256x64xf32, #tpu.memory_space<vmem>> -> memref<256x64xf32, #tpu.memory_space<vmem>>
      %dma_wait3A_477 = arith.constant 128 : i32
      %dma_wait3A_478 = arith.constant 0 : i32
      %dma_wait3A_479 = tpu.memref_slice %dma_wait3A_476[%dma_wait3A_477, %dma_wait3A_478] : memref<256x64xf32, #tpu.memory_space<vmem>> -> memref<128x64xf32, #tpu.memory_space<vmem>>
      %dma_wait3A_480 = arith.constant 0 : i32
      %dma_wait3A_481 = tpu.memref_slice %arg7[%dma_wait3A_471, %dma_wait3A_480] : memref<200x128xi32, #tpu.memory_space<vmem>> -> memref<1x128xi32, #tpu.memory_space<vmem>>
      %dma_wait3A_482 = tpu.memref_squeeze %dma_wait3A_481 : memref<1x128xi32, #tpu.memory_space<vmem>> -> memref<128xi32, #tpu.memory_space<vmem>>
      %dma_wait3A_483 = arith.constant 0 : i32
      %dma_wait3A_484 = arith.constant 0 : i32
      %dma_wait3A_485 = tpu.memref_slice %arg4[%dma_wait3A_483, %dma_wait3A_484] : memref<1000000x64xf32, #tpu.memory_space<hbm>> -> memref<1000000x64xf32, #tpu.memory_space<hbm>>
      tpu.wait_indirect_dma semaphore(%arg12 : memref<!tpu.dma_semaphore, #tpu.memory_space<semaphore_mem>>) src(%dma_wait3A_485 : memref<1000000x64xf32, #tpu.memory_space<hbm>>) dst(%dma_wait3A_479 : memref<128x64xf32, #tpu.memory_space<vmem>>)
      %dma_start3A_486 = arith.constant 1 : i32
      %dma_start3A_487 = arith.constant 0 : i32
      %dma_start3A_488 = arith.constant 0 : i32
      %dma_start3A_489 = tpu.memref_slice %arg9[%dma_start3A_486, %dma_start3A_487, %dma_start3A_488] : memref<2x256x64xf32, #tpu.memory_space<vmem>> -> memref<1x256x64xf32, #tpu.memory_space<vmem>>
      %dma_start3A_490 = tpu.memref_squeeze %dma_start3A_489 : memref<1x256x64xf32, #tpu.memory_space<vmem>> -> memref<256x64xf32, #tpu.memory_space<vmem>>
      %dma_start3A_491 = arith.constant 0 : i32
      %dma_start3A_492 = tpu.memref_slice %arg6[%add3A_455, %dma_start3A_491] : memref<819200x128xf32, #tpu.memory_space<hbm>> -> memref<256x64xf32, #tpu.memory_space<hbm>>
      %dma_start3A_493 = arith.constant 0 : i32
      %dma_start3A_494 = tpu.memref_slice %arg6[%add3A_455, %dma_start3A_493] : memref<819200x128xf32, #tpu.memory_space<hbm>> -> memref<256x64xf32, #tpu.memory_space<hbm>>
      %dma_start3A_495 = arith.constant 0 : i32
      %dma_start3A_496 = arith.constant 0 : i32
      %dma_start3A_497 = tpu.memref_slice %arg9[%dma_start3A_486, %dma_start3A_495, %dma_start3A_496] : memref<2x256x64xf32, #tpu.memory_space<vmem>> -> memref<1x256x64xf32, #tpu.memory_space<vmem>>
      %dma_start3A_498 = tpu.memref_squeeze %dma_start3A_497 : memref<1x256x64xf32, #tpu.memory_space<vmem>> -> memref<256x64xf32, #tpu.memory_space<vmem>>
      tpu.enqueue_dma source(%dma_start3A_498 : memref<256x64xf32, #tpu.memory_space<vmem>>) target(%dma_start3A_494 : memref<256x64xf32, #tpu.memory_space<hbm>>) target_semaphore(%arg16 : memref<!tpu.dma_semaphore, #tpu.memory_space<semaphore_mem>>)
      %dma_wait3A_499 = arith.constant 0 : i32
      %dma_wait3A_500 = arith.constant 1 : i32
      %dma_wait3A_501 = arith.constant 0 : i32
      %dma_wait3A_502 = arith.constant 0 : i32
      %dma_wait3A_503 = tpu.memref_slice %arg10[%dma_wait3A_500, %dma_wait3A_501, %dma_wait3A_502] : memref<2x256x64xf32, #tpu.memory_space<vmem>> -> memref<1x256x64xf32, #tpu.memory_space<vmem>>
      %dma_wait3A_504 = tpu.memref_squeeze %dma_wait3A_503 : memref<1x256x64xf32, #tpu.memory_space<vmem>> -> memref<256x64xf32, #tpu.memory_space<vmem>>
      %dma_wait3A_505 = arith.constant 0 : i32
      %dma_wait3A_506 = arith.constant 0 : i32
      %dma_wait3A_507 = tpu.memref_slice %dma_wait3A_504[%dma_wait3A_505, %dma_wait3A_506] : memref<256x64xf32, #tpu.memory_space<vmem>> -> memref<128x64xf32, #tpu.memory_space<vmem>>
      %dma_wait3A_508 = arith.constant 0 : i32
      %dma_wait3A_509 = tpu.memref_slice %arg8[%dma_wait3A_499, %dma_wait3A_508] : memref<200x128xi32, #tpu.memory_space<vmem>> -> memref<1x128xi32, #tpu.memory_space<vmem>>
      %dma_wait3A_510 = tpu.memref_squeeze %dma_wait3A_509 : memref<1x128xi32, #tpu.memory_space<vmem>> -> memref<128xi32, #tpu.memory_space<vmem>>
      %dma_wait3A_511 = arith.constant 0 : i32
      %dma_wait3A_512 = arith.constant 0 : i32
      %dma_wait3A_513 = tpu.memref_slice %arg5[%dma_wait3A_511, %dma_wait3A_512] : memref<2048x64xf32, #tpu.memory_space<hbm>> -> memref<2048x64xf32, #tpu.memory_space<hbm>>
      tpu.wait_indirect_dma semaphore(%arg14 : memref<!tpu.dma_semaphore, #tpu.memory_space<semaphore_mem>>) src(%dma_wait3A_513 : memref<2048x64xf32, #tpu.memory_space<hbm>>) dst(%dma_wait3A_507 : memref<128x64xf32, #tpu.memory_space<vmem>>)
      %dma_wait3A_514 = arith.constant 1 : i32
      %dma_wait3A_515 = arith.constant 1 : i32
      %dma_wait3A_516 = arith.constant 0 : i32
      %dma_wait3A_517 = arith.constant 0 : i32
      %dma_wait3A_518 = tpu.memref_slice %arg10[%dma_wait3A_515, %dma_wait3A_516, %dma_wait3A_517] : memref<2x256x64xf32, #tpu.memory_space<vmem>> -> memref<1x256x64xf32, #tpu.memory_space<vmem>>
      %dma_wait3A_519 = tpu.memref_squeeze %dma_wait3A_518 : memref<1x256x64xf32, #tpu.memory_space<vmem>> -> memref<256x64xf32, #tpu.memory_space<vmem>>
      %dma_wait3A_520 = arith.constant 128 : i32
      %dma_wait3A_521 = arith.constant 0 : i32
      %dma_wait3A_522 = tpu.memref_slice %dma_wait3A_519[%dma_wait3A_520, %dma_wait3A_521] : memref<256x64xf32, #tpu.memory_space<vmem>> -> memref<128x64xf32, #tpu.memory_space<vmem>>
      %dma_wait3A_523 = arith.constant 0 : i32
      %dma_wait3A_524 = tpu.memref_slice %arg8[%dma_wait3A_514, %dma_wait3A_523] : memref<200x128xi32, #tpu.memory_space<vmem>> -> memref<1x128xi32, #tpu.memory_space<vmem>>
      %dma_wait3A_525 = tpu.memref_squeeze %dma_wait3A_524 : memref<1x128xi32, #tpu.memory_space<vmem>> -> memref<128xi32, #tpu.memory_space<vmem>>
      %dma_wait3A_526 = arith.constant 0 : i32
      %dma_wait3A_527 = arith.constant 0 : i32
      %dma_wait3A_528 = tpu.memref_slice %arg5[%dma_wait3A_526, %dma_wait3A_527] : memref<2048x64xf32, #tpu.memory_space<hbm>> -> memref<2048x64xf32, #tpu.memory_space<hbm>>
      tpu.wait_indirect_dma semaphore(%arg14 : memref<!tpu.dma_semaphore, #tpu.memory_space<semaphore_mem>>) src(%dma_wait3A_528 : memref<2048x64xf32, #tpu.memory_space<hbm>>) dst(%dma_wait3A_522 : memref<128x64xf32, #tpu.memory_space<vmem>>)
      %dma_start3A_529 = arith.constant 1 : i32
      %dma_start3A_530 = arith.constant 0 : i32
      %dma_start3A_531 = arith.constant 0 : i32
      %dma_start3A_532 = tpu.memref_slice %arg10[%dma_start3A_529, %dma_start3A_530, %dma_start3A_531] : memref<2x256x64xf32, #tpu.memory_space<vmem>> -> memref<1x256x64xf32, #tpu.memory_space<vmem>>
      %dma_start3A_533 = tpu.memref_squeeze %dma_start3A_532 : memref<1x256x64xf32, #tpu.memory_space<vmem>> -> memref<256x64xf32, #tpu.memory_space<vmem>>
      %dma_start3A_534 = arith.constant 64 : i32
      %dma_start3A_535 = tpu.memref_slice %arg6[%add3A_455, %dma_start3A_534] : memref<819200x128xf32, #tpu.memory_space<hbm>> -> memref<256x64xf32, #tpu.memory_space<hbm>>
      %dma_start3A_536 = arith.constant 64 : i32
      %dma_start3A_537 = tpu.memref_slice %arg6[%add3A_455, %dma_start3A_536] : memref<819200x128xf32, #tpu.memory_space<hbm>> -> memref<256x64xf32, #tpu.memory_space<hbm>>
      %dma_start3A_538 = arith.constant 0 : i32
      %dma_start3A_539 = arith.constant 0 : i32
      %dma_start3A_540 = tpu.memref_slice %arg10[%dma_start3A_529, %dma_start3A_538, %dma_start3A_539] : memref<2x256x64xf32, #tpu.memory_space<vmem>> -> memref<1x256x64xf32, #tpu.memory_space<vmem>>
      %dma_start3A_541 = tpu.memref_squeeze %dma_start3A_540 : memref<1x256x64xf32, #tpu.memory_space<vmem>> -> memref<256x64xf32, #tpu.memory_space<vmem>>
      tpu.enqueue_dma source(%dma_start3A_541 : memref<256x64xf32, #tpu.memory_space<vmem>>) target(%dma_start3A_537 : memref<256x64xf32, #tpu.memory_space<hbm>>) target_semaphore(%arg16 : memref<!tpu.dma_semaphore, #tpu.memory_space<semaphore_mem>>)
      %add3A_542 = arith.constant 1 : i32
      %add3A_543 = arith.addi %add3A_359, %add3A_542 : i32
      %dma_wait3A_544 = arith.constant 1 : i32
      %dma_wait3A_545 = arith.constant 0 : i32
      %dma_wait3A_546 = arith.constant 0 : i32
      %dma_wait3A_547 = tpu.memref_slice %arg9[%dma_wait3A_544, %dma_wait3A_545, %dma_wait3A_546] : memref<2x256x64xf32, #tpu.memory_space<vmem>> -> memref<1x256x64xf32, #tpu.memory_space<vmem>>
      %dma_wait3A_548 = tpu.memref_squeeze %dma_wait3A_547 : memref<1x256x64xf32, #tpu.memory_space<vmem>> -> memref<256x64xf32, #tpu.memory_space<vmem>>
      %dma_wait3A_549 = arith.constant 0 : i32
      %dma_wait3A_550 = tpu.memref_slice %arg6[%mul3A_2, %dma_wait3A_549] : memref<819200x128xf32, #tpu.memory_space<hbm>> -> memref<256x64xf32, #tpu.memory_space<hbm>>
      %dma_wait3A_551 = arith.constant 0 : i32
      %dma_wait3A_552 = tpu.memref_slice %arg6[%mul3A_2, %dma_wait3A_551] : memref<819200x128xf32, #tpu.memory_space<hbm>> -> memref<256x64xf32, #tpu.memory_space<hbm>>
      %dma_wait3A_553 = arith.constant 0 : i32
      %dma_wait3A_554 = arith.constant 0 : i32
      %dma_wait3A_555 = tpu.memref_slice %arg9[%dma_wait3A_544, %dma_wait3A_553, %dma_wait3A_554] : memref<2x256x64xf32, #tpu.memory_space<vmem>> -> memref<1x256x64xf32, #tpu.memory_space<vmem>>
      %dma_wait3A_556 = tpu.memref_squeeze %dma_wait3A_555 : memref<1x256x64xf32, #tpu.memory_space<vmem>> -> memref<256x64xf32, #tpu.memory_space<vmem>>
      tpu.wait_dma2 semaphore(%arg16 : memref<!tpu.dma_semaphore, #tpu.memory_space<semaphore_mem>>) src(%dma_wait3A_556 : memref<256x64xf32, #tpu.memory_space<vmem>>) dst(%dma_wait3A_552 : memref<256x64xf32, #tpu.memory_space<hbm>>)
      %dma_wait3A_557 = arith.constant 1 : i32
      %dma_wait3A_558 = arith.constant 0 : i32
      %dma_wait3A_559 = arith.constant 0 : i32
      %dma_wait3A_560 = tpu.memref_slice %arg10[%dma_wait3A_557, %dma_wait3A_558, %dma_wait3A_559] : memref<2x256x64xf32, #tpu.memory_space<vmem>> -> memref<1x256x64xf32, #tpu.memory_space<vmem>>
      %dma_wait3A_561 = tpu.memref_squeeze %dma_wait3A_560 : memref<1x256x64xf32, #tpu.memory_space<vmem>> -> memref<256x64xf32, #tpu.memory_space<vmem>>
      %dma_wait3A_562 = arith.constant 64 : i32
      %dma_wait3A_563 = tpu.memref_slice %arg6[%mul3A_2, %dma_wait3A_562] : memref<819200x128xf32, #tpu.memory_space<hbm>> -> memref<256x64xf32, #tpu.memory_space<hbm>>
      %dma_wait3A_564 = arith.constant 64 : i32
      %dma_wait3A_565 = tpu.memref_slice %arg6[%mul3A_2, %dma_wait3A_564] : memref<819200x128xf32, #tpu.memory_space<hbm>> -> memref<256x64xf32, #tpu.memory_space<hbm>>
      %dma_wait3A_566 = arith.constant 0 : i32
      %dma_wait3A_567 = arith.constant 0 : i32
      %dma_wait3A_568 = tpu.memref_slice %arg10[%dma_wait3A_557, %dma_wait3A_566, %dma_wait3A_567] : memref<2x256x64xf32, #tpu.memory_space<vmem>> -> memref<1x256x64xf32, #tpu.memory_space<vmem>>
      %dma_wait3A_569 = tpu.memref_squeeze %dma_wait3A_568 : memref<1x256x64xf32, #tpu.memory_space<vmem>> -> memref<256x64xf32, #tpu.memory_space<vmem>>
      tpu.wait_dma2 semaphore(%arg16 : memref<!tpu.dma_semaphore, #tpu.memory_space<semaphore_mem>>) src(%dma_wait3A_569 : memref<256x64xf32, #tpu.memory_space<vmem>>) dst(%dma_wait3A_565 : memref<256x64xf32, #tpu.memory_space<hbm>>)
      %mul3A_570 = arith.constant 2 : i32
      %mul3A_571 = arith.muli %add3A_543, %mul3A_570 : i32
      %add3A_572 = arith.constant 0 : i32
      %add3A_573 = arith.addi %mul3A_571, %add3A_572 : i32
      %dma_start3A_574 = arith.constant 1 : i32
      %dma_start3A_575 = arith.constant 0 : i32
      %dma_start3A_576 = arith.constant 0 : i32
      %dma_start3A_577 = tpu.memref_slice %arg9[%dma_start3A_574, %dma_start3A_575, %dma_start3A_576] : memref<2x256x64xf32, #tpu.memory_space<vmem>> -> memref<1x256x64xf32, #tpu.memory_space<vmem>>
      %dma_start3A_578 = tpu.memref_squeeze %dma_start3A_577 : memref<1x256x64xf32, #tpu.memory_space<vmem>> -> memref<256x64xf32, #tpu.memory_space<vmem>>
      %dma_start3A_579 = arith.constant 0 : i32
      %dma_start3A_580 = arith.constant 0 : i32
      %dma_start3A_581 = tpu.memref_slice %dma_start3A_578[%dma_start3A_579, %dma_start3A_580] : memref<256x64xf32, #tpu.memory_space<vmem>> -> memref<128x64xf32, #tpu.memory_space<vmem>>
      %dma_start3A_582 = arith.constant 0 : i32
      %dma_start3A_583 = tpu.memref_slice %arg7[%add3A_573, %dma_start3A_582] : memref<200x128xi32, #tpu.memory_space<vmem>> -> memref<1x128xi32, #tpu.memory_space<vmem>>
      %dma_start3A_584 = tpu.memref_squeeze %dma_start3A_583 : memref<1x128xi32, #tpu.memory_space<vmem>> -> memref<128xi32, #tpu.memory_space<vmem>>
      %dma_start3A_585 = arith.constant 0 : i32
      %dma_start3A_586 = arith.constant 0 : i32
      %dma_start3A_587 = tpu.memref_slice %arg4[%dma_start3A_585, %dma_start3A_586] : memref<1000000x64xf32, #tpu.memory_space<hbm>> -> memref<1000000x64xf32, #tpu.memory_space<hbm>>
      tpu.enqueue_indirect_dma source(%dma_start3A_587 : memref<1000000x64xf32, #tpu.memory_space<hbm>>) target(%dma_start3A_581 : memref<128x64xf32, #tpu.memory_space<vmem>>) offsets(%dma_start3A_584 : memref<128xi32, #tpu.memory_space<vmem>>) semaphore(%arg12 : memref<!tpu.dma_semaphore, #tpu.memory_space<semaphore_mem>>)
      %dma_start3A_588 = arith.constant 1 : i32
      %dma_start3A_589 = arith.constant 0 : i32
      %dma_start3A_590 = arith.constant 0 : i32
      %dma_start3A_591 = tpu.memref_slice %arg10[%dma_start3A_588, %dma_start3A_589, %dma_start3A_590] : memref<2x256x64xf32, #tpu.memory_space<vmem>> -> memref<1x256x64xf32, #tpu.memory_space<vmem>>
      %dma_start3A_592 = tpu.memref_squeeze %dma_start3A_591 : memref<1x256x64xf32, #tpu.memory_space<vmem>> -> memref<256x64xf32, #tpu.memory_space<vmem>>
      %dma_start3A_593 = arith.constant 0 : i32
      %dma_start3A_594 = arith.constant 0 : i32
      %dma_start3A_595 = tpu.memref_slice %dma_start3A_592[%dma_start3A_593, %dma_start3A_594] : memref<256x64xf32, #tpu.memory_space<vmem>> -> memref<128x64xf32, #tpu.memory_space<vmem>>
      %dma_start3A_596 = arith.constant 0 : i32
      %dma_start3A_597 = tpu.memref_slice %arg8[%add3A_573, %dma_start3A_596] : memref<200x128xi32, #tpu.memory_space<vmem>> -> memref<1x128xi32, #tpu.memory_space<vmem>>
      %dma_start3A_598 = tpu.memref_squeeze %dma_start3A_597 : memref<1x128xi32, #tpu.memory_space<vmem>> -> memref<128xi32, #tpu.memory_space<vmem>>
      %dma_start3A_599 = arith.constant 0 : i32
      %dma_start3A_600 = arith.constant 0 : i32
      %dma_start3A_601 = tpu.memref_slice %arg5[%dma_start3A_599, %dma_start3A_600] : memref<2048x64xf32, #tpu.memory_space<hbm>> -> memref<2048x64xf32, #tpu.memory_space<hbm>>
      tpu.enqueue_indirect_dma source(%dma_start3A_601 : memref<2048x64xf32, #tpu.memory_space<hbm>>) target(%dma_start3A_595 : memref<128x64xf32, #tpu.memory_space<vmem>>) offsets(%dma_start3A_598 : memref<128xi32, #tpu.memory_space<vmem>>) semaphore(%arg14 : memref<!tpu.dma_semaphore, #tpu.memory_space<semaphore_mem>>)
      %mul3A_602 = arith.constant 2 : i32
      %mul3A_603 = arith.muli %add3A_543, %mul3A_602 : i32
      %add3A_604 = arith.constant 1 : i32
      %add3A_605 = arith.addi %mul3A_603, %add3A_604 : i32
      %dma_start3A_606 = arith.constant 1 : i32
      %dma_start3A_607 = arith.constant 0 : i32
      %dma_start3A_608 = arith.constant 0 : i32
      %dma_start3A_609 = tpu.memref_slice %arg9[%dma_start3A_606, %dma_start3A_607, %dma_start3A_608] : memref<2x256x64xf32, #tpu.memory_space<vmem>> -> memref<1x256x64xf32, #tpu.memory_space<vmem>>
      %dma_start3A_610 = tpu.memref_squeeze %dma_start3A_609 : memref<1x256x64xf32, #tpu.memory_space<vmem>> -> memref<256x64xf32, #tpu.memory_space<vmem>>
      %dma_start3A_611 = arith.constant 128 : i32
      %dma_start3A_612 = arith.constant 0 : i32
      %dma_start3A_613 = tpu.memref_slice %dma_start3A_610[%dma_start3A_611, %dma_start3A_612] : memref<256x64xf32, #tpu.memory_space<vmem>> -> memref<128x64xf32, #tpu.memory_space<vmem>>
      %dma_start3A_614 = arith.constant 0 : i32
      %dma_start3A_615 = tpu.memref_slice %arg7[%add3A_605, %dma_start3A_614] : memref<200x128xi32, #tpu.memory_space<vmem>> -> memref<1x128xi32, #tpu.memory_space<vmem>>
      %dma_start3A_616 = tpu.memref_squeeze %dma_start3A_615 : memref<1x128xi32, #tpu.memory_space<vmem>> -> memref<128xi32, #tpu.memory_space<vmem>>
      %dma_start3A_617 = arith.constant 0 : i32
      %dma_start3A_618 = arith.constant 0 : i32
      %dma_start3A_619 = tpu.memref_slice %arg4[%dma_start3A_617, %dma_start3A_618] : memref<1000000x64xf32, #tpu.memory_space<hbm>> -> memref<1000000x64xf32, #tpu.memory_space<hbm>>
      tpu.enqueue_indirect_dma source(%dma_start3A_619 : memref<1000000x64xf32, #tpu.memory_space<hbm>>) target(%dma_start3A_613 : memref<128x64xf32, #tpu.memory_space<vmem>>) offsets(%dma_start3A_616 : memref<128xi32, #tpu.memory_space<vmem>>) semaphore(%arg12 : memref<!tpu.dma_semaphore, #tpu.memory_space<semaphore_mem>>)
      %dma_start3A_620 = arith.constant 1 : i32
      %dma_start3A_621 = arith.constant 0 : i32
      %dma_start3A_622 = arith.constant 0 : i32
      %dma_start3A_623 = tpu.memref_slice %arg10[%dma_start3A_620, %dma_start3A_621, %dma_start3A_622] : memref<2x256x64xf32, #tpu.memory_space<vmem>> -> memref<1x256x64xf32, #tpu.memory_space<vmem>>
      %dma_start3A_624 = tpu.memref_squeeze %dma_start3A_623 : memref<1x256x64xf32, #tpu.memory_space<vmem>> -> memref<256x64xf32, #tpu.memory_space<vmem>>
      %dma_start3A_625 = arith.constant 128 : i32
      %dma_start3A_626 = arith.constant 0 : i32
      %dma_start3A_627 = tpu.memref_slice %dma_start3A_624[%dma_start3A_625, %dma_start3A_626] : memref<256x64xf32, #tpu.memory_space<vmem>> -> memref<128x64xf32, #tpu.memory_space<vmem>>
      %dma_start3A_628 = arith.constant 0 : i32
      %dma_start3A_629 = tpu.memref_slice %arg8[%add3A_605, %dma_start3A_628] : memref<200x128xi32, #tpu.memory_space<vmem>> -> memref<1x128xi32, #tpu.memory_space<vmem>>
      %dma_start3A_630 = tpu.memref_squeeze %dma_start3A_629 : memref<1x128xi32, #tpu.memory_space<vmem>> -> memref<128xi32, #tpu.memory_space<vmem>>
      %dma_start3A_631 = arith.constant 0 : i32
      %dma_start3A_632 = arith.constant 0 : i32
      %dma_start3A_633 = tpu.memref_slice %arg5[%dma_start3A_631, %dma_start3A_632] : memref<2048x64xf32, #tpu.memory_space<hbm>> -> memref<2048x64xf32, #tpu.memory_space<hbm>>
      tpu.enqueue_indirect_dma source(%dma_start3A_633 : memref<2048x64xf32, #tpu.memory_space<hbm>>) target(%dma_start3A_627 : memref<128x64xf32, #tpu.memory_space<vmem>>) offsets(%dma_start3A_630 : memref<128xi32, #tpu.memory_space<vmem>>) semaphore(%arg14 : memref<!tpu.dma_semaphore, #tpu.memory_space<semaphore_mem>>)
      %sub3A_634 = arith.constant 1 : i32
      %sub3A_635 = arith.subi %add3A_543, %sub3A_634 : i32
      %mul3A_636 = arith.constant 256 : i32
      %mul3A_637 = arith.muli %sub3A_635, %mul3A_636 : i32
      %add3A_638 = arith.addi %mul3A_2, %mul3A_637 : i32
      %dma_wait3A_639 = arith.constant 0 : i32
      %dma_wait3A_640 = arith.constant 0 : i32
      %dma_wait3A_641 = arith.constant 0 : i32
      %dma_wait3A_642 = arith.constant 0 : i32
      %dma_wait3A_643 = tpu.memref_slice %arg9[%dma_wait3A_640, %dma_wait3A_641, %dma_wait3A_642] : memref<2x256x64xf32, #tpu.memory_space<vmem>> -> memref<1x256x64xf32, #tpu.memory_space<vmem>>
      %dma_wait3A_644 = tpu.memref_squeeze %dma_wait3A_643 : memref<1x256x64xf32, #tpu.memory_space<vmem>> -> memref<256x64xf32, #tpu.memory_space<vmem>>
      %dma_wait3A_645 = arith.constant 0 : i32
      %dma_wait3A_646 = arith.constant 0 : i32
      %dma_wait3A_647 = tpu.memref_slice %dma_wait3A_644[%dma_wait3A_645, %dma_wait3A_646] : memref<256x64xf32, #tpu.memory_space<vmem>> -> memref<128x64xf32, #tpu.memory_space<vmem>>
      %dma_wait3A_648 = arith.constant 0 : i32
      %dma_wait3A_649 = tpu.memref_slice %arg7[%dma_wait3A_639, %dma_wait3A_648] : memref<200x128xi32, #tpu.memory_space<vmem>> -> memref<1x128xi32, #tpu.memory_space<vmem>>
      %dma_wait3A_650 = tpu.memref_squeeze %dma_wait3A_649 : memref<1x128xi32, #tpu.memory_space<vmem>> -> memref<128xi32, #tpu.memory_space<vmem>>
      %dma_wait3A_651 = arith.constant 0 : i32
      %dma_wait3A_652 = arith.constant 0 : i32
      %dma_wait3A_653 = tpu.memref_slice %arg4[%dma_wait3A_651, %dma_wait3A_652] : memref<1000000x64xf32, #tpu.memory_space<hbm>> -> memref<1000000x64xf32, #tpu.memory_space<hbm>>
      tpu.wait_indirect_dma semaphore(%arg11 : memref<!tpu.dma_semaphore, #tpu.memory_space<semaphore_mem>>) src(%dma_wait3A_653 : memref<1000000x64xf32, #tpu.memory_space<hbm>>) dst(%dma_wait3A_647 : memref<128x64xf32, #tpu.memory_space<vmem>>)
      %dma_wait3A_654 = arith.constant 1 : i32
      %dma_wait3A_655 = arith.constant 0 : i32
      %dma_wait3A_656 = arith.constant 0 : i32
      %dma_wait3A_657 = arith.constant 0 : i32
      %dma_wait3A_658 = tpu.memref_slice %arg9[%dma_wait3A_655, %dma_wait3A_656, %dma_wait3A_657] : memref<2x256x64xf32, #tpu.memory_space<vmem>> -> memref<1x256x64xf32, #tpu.memory_space<vmem>>
      %dma_wait3A_659 = tpu.memref_squeeze %dma_wait3A_658 : memref<1x256x64xf32, #tpu.memory_space<vmem>> -> memref<256x64xf32, #tpu.memory_space<vmem>>
      %dma_wait3A_660 = arith.constant 128 : i32
      %dma_wait3A_661 = arith.constant 0 : i32
      %dma_wait3A_662 = tpu.memref_slice %dma_wait3A_659[%dma_wait3A_660, %dma_wait3A_661] : memref<256x64xf32, #tpu.memory_space<vmem>> -> memref<128x64xf32, #tpu.memory_space<vmem>>
      %dma_wait3A_663 = arith.constant 0 : i32
      %dma_wait3A_664 = tpu.memref_slice %arg7[%dma_wait3A_654, %dma_wait3A_663] : memref<200x128xi32, #tpu.memory_space<vmem>> -> memref<1x128xi32, #tpu.memory_space<vmem>>
      %dma_wait3A_665 = tpu.memref_squeeze %dma_wait3A_664 : memref<1x128xi32, #tpu.memory_space<vmem>> -> memref<128xi32, #tpu.memory_space<vmem>>
      %dma_wait3A_666 = arith.constant 0 : i32
      %dma_wait3A_667 = arith.constant 0 : i32
      %dma_wait3A_668 = tpu.memref_slice %arg4[%dma_wait3A_666, %dma_wait3A_667] : memref<1000000x64xf32, #tpu.memory_space<hbm>> -> memref<1000000x64xf32, #tpu.memory_space<hbm>>
      tpu.wait_indirect_dma semaphore(%arg11 : memref<!tpu.dma_semaphore, #tpu.memory_space<semaphore_mem>>) src(%dma_wait3A_668 : memref<1000000x64xf32, #tpu.memory_space<hbm>>) dst(%dma_wait3A_662 : memref<128x64xf32, #tpu.memory_space<vmem>>)
      %dma_start3A_669 = arith.constant 0 : i32
      %dma_start3A_670 = arith.constant 0 : i32
      %dma_start3A_671 = arith.constant 0 : i32
      %dma_start3A_672 = tpu.memref_slice %arg9[%dma_start3A_669, %dma_start3A_670, %dma_start3A_671] : memref<2x256x64xf32, #tpu.memory_space<vmem>> -> memref<1x256x64xf32, #tpu.memory_space<vmem>>
      %dma_start3A_673 = tpu.memref_squeeze %dma_start3A_672 : memref<1x256x64xf32, #tpu.memory_space<vmem>> -> memref<256x64xf32, #tpu.memory_space<vmem>>
      %dma_start3A_674 = arith.constant 0 : i32
      %dma_start3A_675 = tpu.memref_slice %arg6[%add3A_638, %dma_start3A_674] : memref<819200x128xf32, #tpu.memory_space<hbm>> -> memref<256x64xf32, #tpu.memory_space<hbm>>
      %dma_start3A_676 = arith.constant 0 : i32
      %dma_start3A_677 = tpu.memref_slice %arg6[%add3A_638, %dma_start3A_676] : memref<819200x128xf32, #tpu.memory_space<hbm>> -> memref<256x64xf32, #tpu.memory_space<hbm>>
      %dma_start3A_678 = arith.constant 0 : i32
      %dma_start3A_679 = arith.constant 0 : i32
      %dma_start3A_680 = tpu.memref_slice %arg9[%dma_start3A_669, %dma_start3A_678, %dma_start3A_679] : memref<2x256x64xf32, #tpu.memory_space<vmem>> -> memref<1x256x64xf32, #tpu.memory_space<vmem>>
      %dma_start3A_681 = tpu.memref_squeeze %dma_start3A_680 : memref<1x256x64xf32, #tpu.memory_space<vmem>> -> memref<256x64xf32, #tpu.memory_space<vmem>>
      tpu.enqueue_dma source(%dma_start3A_681 : memref<256x64xf32, #tpu.memory_space<vmem>>) target(%dma_start3A_677 : memref<256x64xf32, #tpu.memory_space<hbm>>) target_semaphore(%arg15 : memref<!tpu.dma_semaphore, #tpu.memory_space<semaphore_mem>>)
      %dma_wait3A_682 = arith.constant 0 : i32
      %dma_wait3A_683 = arith.constant 0 : i32
      %dma_wait3A_684 = arith.constant 0 : i32
      %dma_wait3A_685 = arith.constant 0 : i32
      %dma_wait3A_686 = tpu.memref_slice %arg10[%dma_wait3A_683, %dma_wait3A_684, %dma_wait3A_685] : memref<2x256x64xf32, #tpu.memory_space<vmem>> -> memref<1x256x64xf32, #tpu.memory_space<vmem>>
      %dma_wait3A_687 = tpu.memref_squeeze %dma_wait3A_686 : memref<1x256x64xf32, #tpu.memory_space<vmem>> -> memref<256x64xf32, #tpu.memory_space<vmem>>
      %dma_wait3A_688 = arith.constant 0 : i32
      %dma_wait3A_689 = arith.constant 0 : i32
      %dma_wait3A_690 = tpu.memref_slice %dma_wait3A_687[%dma_wait3A_688, %dma_wait3A_689] : memref<256x64xf32, #tpu.memory_space<vmem>> -> memref<128x64xf32, #tpu.memory_space<vmem>>
      %dma_wait3A_691 = arith.constant 0 : i32
      %dma_wait3A_692 = tpu.memref_slice %arg8[%dma_wait3A_682, %dma_wait3A_691] : memref<200x128xi32, #tpu.memory_space<vmem>> -> memref<1x128xi32, #tpu.memory_space<vmem>>
      %dma_wait3A_693 = tpu.memref_squeeze %dma_wait3A_692 : memref<1x128xi32, #tpu.memory_space<vmem>> -> memref<128xi32, #tpu.memory_space<vmem>>
      %dma_wait3A_694 = arith.constant 0 : i32
      %dma_wait3A_695 = arith.constant 0 : i32
      %dma_wait3A_696 = tpu.memref_slice %arg5[%dma_wait3A_694, %dma_wait3A_695] : memref<2048x64xf32, #tpu.memory_space<hbm>> -> memref<2048x64xf32, #tpu.memory_space<hbm>>
      tpu.wait_indirect_dma semaphore(%arg13 : memref<!tpu.dma_semaphore, #tpu.memory_space<semaphore_mem>>) src(%dma_wait3A_696 : memref<2048x64xf32, #tpu.memory_space<hbm>>) dst(%dma_wait3A_690 : memref<128x64xf32, #tpu.memory_space<vmem>>)
      %dma_wait3A_697 = arith.constant 1 : i32
      %dma_wait3A_698 = arith.constant 0 : i32
      %dma_wait3A_699 = arith.constant 0 : i32
      %dma_wait3A_700 = arith.constant 0 : i32
      %dma_wait3A_701 = tpu.memref_slice %arg10[%dma_wait3A_698, %dma_wait3A_699, %dma_wait3A_700] : memref<2x256x64xf32, #tpu.memory_space<vmem>> -> memref<1x256x64xf32, #tpu.memory_space<vmem>>
      %dma_wait3A_702 = tpu.memref_squeeze %dma_wait3A_701 : memref<1x256x64xf32, #tpu.memory_space<vmem>> -> memref<256x64xf32, #tpu.memory_space<vmem>>
      %dma_wait3A_703 = arith.constant 128 : i32
      %dma_wait3A_704 = arith.constant 0 : i32
      %dma_wait3A_705 = tpu.memref_slice %dma_wait3A_702[%dma_wait3A_703, %dma_wait3A_704] : memref<256x64xf32, #tpu.memory_space<vmem>> -> memref<128x64xf32, #tpu.memory_space<vmem>>
      %dma_wait3A_706 = arith.constant 0 : i32
      %dma_wait3A_707 = tpu.memref_slice %arg8[%dma_wait3A_697, %dma_wait3A_706] : memref<200x128xi32, #tpu.memory_space<vmem>> -> memref<1x128xi32, #tpu.memory_space<vmem>>
      %dma_wait3A_708 = tpu.memref_squeeze %dma_wait3A_707 : memref<1x128xi32, #tpu.memory_space<vmem>> -> memref<128xi32, #tpu.memory_space<vmem>>
      %dma_wait3A_709 = arith.constant 0 : i32
      %dma_wait3A_710 = arith.constant 0 : i32
      %dma_wait3A_711 = tpu.memref_slice %arg5[%dma_wait3A_709, %dma_wait3A_710] : memref<2048x64xf32, #tpu.memory_space<hbm>> -> memref<2048x64xf32, #tpu.memory_space<hbm>>
      tpu.wait_indirect_dma semaphore(%arg13 : memref<!tpu.dma_semaphore, #tpu.memory_space<semaphore_mem>>) src(%dma_wait3A_711 : memref<2048x64xf32, #tpu.memory_space<hbm>>) dst(%dma_wait3A_705 : memref<128x64xf32, #tpu.memory_space<vmem>>)
      %dma_start3A_712 = arith.constant 0 : i32
      %dma_start3A_713 = arith.constant 0 : i32
      %dma_start3A_714 = arith.constant 0 : i32
      %dma_start3A_715 = tpu.memref_slice %arg10[%dma_start3A_712, %dma_start3A_713, %dma_start3A_714] : memref<2x256x64xf32, #tpu.memory_space<vmem>> -> memref<1x256x64xf32, #tpu.memory_space<vmem>>
      %dma_start3A_716 = tpu.memref_squeeze %dma_start3A_715 : memref<1x256x64xf32, #tpu.memory_space<vmem>> -> memref<256x64xf32, #tpu.memory_space<vmem>>
      %dma_start3A_717 = arith.constant 64 : i32
      %dma_start3A_718 = tpu.memref_slice %arg6[%add3A_638, %dma_start3A_717] : memref<819200x128xf32, #tpu.memory_space<hbm>> -> memref<256x64xf32, #tpu.memory_space<hbm>>
      %dma_start3A_719 = arith.constant 64 : i32
      %dma_start3A_720 = tpu.memref_slice %arg6[%add3A_638, %dma_start3A_719] : memref<819200x128xf32, #tpu.memory_space<hbm>> -> memref<256x64xf32, #tpu.memory_space<hbm>>
      %dma_start3A_721 = arith.constant 0 : i32
      %dma_start3A_722 = arith.constant 0 : i32
      %dma_start3A_723 = tpu.memref_slice %arg10[%dma_start3A_712, %dma_start3A_721, %dma_start3A_722] : memref<2x256x64xf32, #tpu.memory_space<vmem>> -> memref<1x256x64xf32, #tpu.memory_space<vmem>>
      %dma_start3A_724 = tpu.memref_squeeze %dma_start3A_723 : memref<1x256x64xf32, #tpu.memory_space<vmem>> -> memref<256x64xf32, #tpu.memory_space<vmem>>
      tpu.enqueue_dma source(%dma_start3A_724 : memref<256x64xf32, #tpu.memory_space<vmem>>) target(%dma_start3A_720 : memref<256x64xf32, #tpu.memory_space<hbm>>) target_semaphore(%arg15 : memref<!tpu.dma_semaphore, #tpu.memory_space<semaphore_mem>>)
    }
    %scan3A_214 = arith.constant 49 : i32
    %add3A_215 = arith.constant 25344 : i32
    %add3A_216 = arith.addi %mul3A_2, %add3A_215 : i32
    %dma_wait3A_217 = arith.constant 0 : i32
    %dma_wait3A_218 = arith.constant 1 : i32
    %dma_wait3A_219 = arith.constant 0 : i32
    %dma_wait3A_220 = arith.constant 0 : i32
    %dma_wait3A_221 = tpu.memref_slice %arg9[%dma_wait3A_218, %dma_wait3A_219, %dma_wait3A_220] : memref<2x256x64xf32, #tpu.memory_space<vmem>> -> memref<1x256x64xf32, #tpu.memory_space<vmem>>
    %dma_wait3A_222 = tpu.memref_squeeze %dma_wait3A_221 : memref<1x256x64xf32, #tpu.memory_space<vmem>> -> memref<256x64xf32, #tpu.memory_space<vmem>>
    %dma_wait3A_223 = arith.constant 0 : i32
    %dma_wait3A_224 = arith.constant 0 : i32
    %dma_wait3A_225 = tpu.memref_slice %dma_wait3A_222[%dma_wait3A_223, %dma_wait3A_224] : memref<256x64xf32, #tpu.memory_space<vmem>> -> memref<128x64xf32, #tpu.memory_space<vmem>>
    %dma_wait3A_226 = arith.constant 0 : i32
    %dma_wait3A_227 = tpu.memref_slice %arg7[%dma_wait3A_217, %dma_wait3A_226] : memref<200x128xi32, #tpu.memory_space<vmem>> -> memref<1x128xi32, #tpu.memory_space<vmem>>
    %dma_wait3A_228 = tpu.memref_squeeze %dma_wait3A_227 : memref<1x128xi32, #tpu.memory_space<vmem>> -> memref<128xi32, #tpu.memory_space<vmem>>
    %dma_wait3A_229 = arith.constant 0 : i32
    %dma_wait3A_230 = arith.constant 0 : i32
    %dma_wait3A_231 = tpu.memref_slice %arg4[%dma_wait3A_229, %dma_wait3A_230] : memref<1000000x64xf32, #tpu.memory_space<hbm>> -> memref<1000000x64xf32, #tpu.memory_space<hbm>>
    tpu.wait_indirect_dma semaphore(%arg12 : memref<!tpu.dma_semaphore, #tpu.memory_space<semaphore_mem>>) src(%dma_wait3A_231 : memref<1000000x64xf32, #tpu.memory_space<hbm>>) dst(%dma_wait3A_225 : memref<128x64xf32, #tpu.memory_space<vmem>>)
    %dma_wait3A_232 = arith.constant 1 : i32
    %dma_wait3A_233 = arith.constant 1 : i32
    %dma_wait3A_234 = arith.constant 0 : i32
    %dma_wait3A_235 = arith.constant 0 : i32
    %dma_wait3A_236 = tpu.memref_slice %arg9[%dma_wait3A_233, %dma_wait3A_234, %dma_wait3A_235] : memref<2x256x64xf32, #tpu.memory_space<vmem>> -> memref<1x256x64xf32, #tpu.memory_space<vmem>>
    %dma_wait3A_237 = tpu.memref_squeeze %dma_wait3A_236 : memref<1x256x64xf32, #tpu.memory_space<vmem>> -> memref<256x64xf32, #tpu.memory_space<vmem>>
    %dma_wait3A_238 = arith.constant 128 : i32
    %dma_wait3A_239 = arith.constant 0 : i32
    %dma_wait3A_240 = tpu.memref_slice %dma_wait3A_237[%dma_wait3A_238, %dma_wait3A_239] : memref<256x64xf32, #tpu.memory_space<vmem>> -> memref<128x64xf32, #tpu.memory_space<vmem>>
    %dma_wait3A_241 = arith.constant 0 : i32
    %dma_wait3A_242 = tpu.memref_slice %arg7[%dma_wait3A_232, %dma_wait3A_241] : memref<200x128xi32, #tpu.memory_space<vmem>> -> memref<1x128xi32, #tpu.memory_space<vmem>>
    %dma_wait3A_243 = tpu.memref_squeeze %dma_wait3A_242 : memref<1x128xi32, #tpu.memory_space<vmem>> -> memref<128xi32, #tpu.memory_space<vmem>>
    %dma_wait3A_244 = arith.constant 0 : i32
    %dma_wait3A_245 = arith.constant 0 : i32
    %dma_wait3A_246 = tpu.memref_slice %arg4[%dma_wait3A_244, %dma_wait3A_245] : memref<1000000x64xf32, #tpu.memory_space<hbm>> -> memref<1000000x64xf32, #tpu.memory_space<hbm>>
    tpu.wait_indirect_dma semaphore(%arg12 : memref<!tpu.dma_semaphore, #tpu.memory_space<semaphore_mem>>) src(%dma_wait3A_246 : memref<1000000x64xf32, #tpu.memory_space<hbm>>) dst(%dma_wait3A_240 : memref<128x64xf32, #tpu.memory_space<vmem>>)
    %dma_start3A_247 = arith.constant 1 : i32
    %dma_start3A_248 = arith.constant 0 : i32
    %dma_start3A_249 = arith.constant 0 : i32
    %dma_start3A_250 = tpu.memref_slice %arg9[%dma_start3A_247, %dma_start3A_248, %dma_start3A_249] : memref<2x256x64xf32, #tpu.memory_space<vmem>> -> memref<1x256x64xf32, #tpu.memory_space<vmem>>
    %dma_start3A_251 = tpu.memref_squeeze %dma_start3A_250 : memref<1x256x64xf32, #tpu.memory_space<vmem>> -> memref<256x64xf32, #tpu.memory_space<vmem>>
    %dma_start3A_252 = arith.constant 0 : i32
    %dma_start3A_253 = tpu.memref_slice %arg6[%add3A_216, %dma_start3A_252] : memref<819200x128xf32, #tpu.memory_space<hbm>> -> memref<256x64xf32, #tpu.memory_space<hbm>>
    %dma_start3A_254 = arith.constant 0 : i32
    %dma_start3A_255 = tpu.memref_slice %arg6[%add3A_216, %dma_start3A_254] : memref<819200x128xf32, #tpu.memory_space<hbm>> -> memref<256x64xf32, #tpu.memory_space<hbm>>
    %dma_start3A_256 = arith.constant 0 : i32
    %dma_start3A_257 = arith.constant 0 : i32
    %dma_start3A_258 = tpu.memref_slice %arg9[%dma_start3A_247, %dma_start3A_256, %dma_start3A_257] : memref<2x256x64xf32, #tpu.memory_space<vmem>> -> memref<1x256x64xf32, #tpu.memory_space<vmem>>
    %dma_start3A_259 = tpu.memref_squeeze %dma_start3A_258 : memref<1x256x64xf32, #tpu.memory_space<vmem>> -> memref<256x64xf32, #tpu.memory_space<vmem>>
    tpu.enqueue_dma source(%dma_start3A_259 : memref<256x64xf32, #tpu.memory_space<vmem>>) target(%dma_start3A_255 : memref<256x64xf32, #tpu.memory_space<hbm>>) target_semaphore(%arg16 : memref<!tpu.dma_semaphore, #tpu.memory_space<semaphore_mem>>)
    %dma_wait3A_260 = arith.constant 0 : i32
    %dma_wait3A_261 = arith.constant 1 : i32
    %dma_wait3A_262 = arith.constant 0 : i32
    %dma_wait3A_263 = arith.constant 0 : i32
    %dma_wait3A_264 = tpu.memref_slice %arg10[%dma_wait3A_261, %dma_wait3A_262, %dma_wait3A_263] : memref<2x256x64xf32, #tpu.memory_space<vmem>> -> memref<1x256x64xf32, #tpu.memory_space<vmem>>
    %dma_wait3A_265 = tpu.memref_squeeze %dma_wait3A_264 : memref<1x256x64xf32, #tpu.memory_space<vmem>> -> memref<256x64xf32, #tpu.memory_space<vmem>>
    %dma_wait3A_266 = arith.constant 0 : i32
    %dma_wait3A_267 = arith.constant 0 : i32
    %dma_wait3A_268 = tpu.memref_slice %dma_wait3A_265[%dma_wait3A_266, %dma_wait3A_267] : memref<256x64xf32, #tpu.memory_space<vmem>> -> memref<128x64xf32, #tpu.memory_space<vmem>>
    %dma_wait3A_269 = arith.constant 0 : i32
    %dma_wait3A_270 = tpu.memref_slice %arg8[%dma_wait3A_260, %dma_wait3A_269] : memref<200x128xi32, #tpu.memory_space<vmem>> -> memref<1x128xi32, #tpu.memory_space<vmem>>
    %dma_wait3A_271 = tpu.memref_squeeze %dma_wait3A_270 : memref<1x128xi32, #tpu.memory_space<vmem>> -> memref<128xi32, #tpu.memory_space<vmem>>
    %dma_wait3A_272 = arith.constant 0 : i32
    %dma_wait3A_273 = arith.constant 0 : i32
    %dma_wait3A_274 = tpu.memref_slice %arg5[%dma_wait3A_272, %dma_wait3A_273] : memref<2048x64xf32, #tpu.memory_space<hbm>> -> memref<2048x64xf32, #tpu.memory_space<hbm>>
    tpu.wait_indirect_dma semaphore(%arg14 : memref<!tpu.dma_semaphore, #tpu.memory_space<semaphore_mem>>) src(%dma_wait3A_274 : memref<2048x64xf32, #tpu.memory_space<hbm>>) dst(%dma_wait3A_268 : memref<128x64xf32, #tpu.memory_space<vmem>>)
    %dma_wait3A_275 = arith.constant 1 : i32
    %dma_wait3A_276 = arith.constant 1 : i32
    %dma_wait3A_277 = arith.constant 0 : i32
    %dma_wait3A_278 = arith.constant 0 : i32
    %dma_wait3A_279 = tpu.memref_slice %arg10[%dma_wait3A_276, %dma_wait3A_277, %dma_wait3A_278] : memref<2x256x64xf32, #tpu.memory_space<vmem>> -> memref<1x256x64xf32, #tpu.memory_space<vmem>>
    %dma_wait3A_280 = tpu.memref_squeeze %dma_wait3A_279 : memref<1x256x64xf32, #tpu.memory_space<vmem>> -> memref<256x64xf32, #tpu.memory_space<vmem>>
    %dma_wait3A_281 = arith.constant 128 : i32
    %dma_wait3A_282 = arith.constant 0 : i32
    %dma_wait3A_283 = tpu.memref_slice %dma_wait3A_280[%dma_wait3A_281, %dma_wait3A_282] : memref<256x64xf32, #tpu.memory_space<vmem>> -> memref<128x64xf32, #tpu.memory_space<vmem>>
    %dma_wait3A_284 = arith.constant 0 : i32
    %dma_wait3A_285 = tpu.memref_slice %arg8[%dma_wait3A_275, %dma_wait3A_284] : memref<200x128xi32, #tpu.memory_space<vmem>> -> memref<1x128xi32, #tpu.memory_space<vmem>>
    %dma_wait3A_286 = tpu.memref_squeeze %dma_wait3A_285 : memref<1x128xi32, #tpu.memory_space<vmem>> -> memref<128xi32, #tpu.memory_space<vmem>>
    %dma_wait3A_287 = arith.constant 0 : i32
    %dma_wait3A_288 = arith.constant 0 : i32
    %dma_wait3A_289 = tpu.memref_slice %arg5[%dma_wait3A_287, %dma_wait3A_288] : memref<2048x64xf32, #tpu.memory_space<hbm>> -> memref<2048x64xf32, #tpu.memory_space<hbm>>
    tpu.wait_indirect_dma semaphore(%arg14 : memref<!tpu.dma_semaphore, #tpu.memory_space<semaphore_mem>>) src(%dma_wait3A_289 : memref<2048x64xf32, #tpu.memory_space<hbm>>) dst(%dma_wait3A_283 : memref<128x64xf32, #tpu.memory_space<vmem>>)
    %dma_start3A_290 = arith.constant 1 : i32
    %dma_start3A_291 = arith.constant 0 : i32
    %dma_start3A_292 = arith.constant 0 : i32
    %dma_start3A_293 = tpu.memref_slice %arg10[%dma_start3A_290, %dma_start3A_291, %dma_start3A_292] : memref<2x256x64xf32, #tpu.memory_space<vmem>> -> memref<1x256x64xf32, #tpu.memory_space<vmem>>
    %dma_start3A_294 = tpu.memref_squeeze %dma_start3A_293 : memref<1x256x64xf32, #tpu.memory_space<vmem>> -> memref<256x64xf32, #tpu.memory_space<vmem>>
    %dma_start3A_295 = arith.constant 64 : i32
    %dma_start3A_296 = tpu.memref_slice %arg6[%add3A_216, %dma_start3A_295] : memref<819200x128xf32, #tpu.memory_space<hbm>> -> memref<256x64xf32, #tpu.memory_space<hbm>>
    %dma_start3A_297 = arith.constant 64 : i32
    %dma_start3A_298 = tpu.memref_slice %arg6[%add3A_216, %dma_start3A_297] : memref<819200x128xf32, #tpu.memory_space<hbm>> -> memref<256x64xf32, #tpu.memory_space<hbm>>
    %dma_start3A_299 = arith.constant 0 : i32
    %dma_start3A_300 = arith.constant 0 : i32
    %dma_start3A_301 = tpu.memref_slice %arg10[%dma_start3A_290, %dma_start3A_299, %dma_start3A_300] : memref<2x256x64xf32, #tpu.memory_space<vmem>> -> memref<1x256x64xf32, #tpu.memory_space<vmem>>
    %dma_start3A_302 = tpu.memref_squeeze %dma_start3A_301 : memref<1x256x64xf32, #tpu.memory_space<vmem>> -> memref<256x64xf32, #tpu.memory_space<vmem>>
    tpu.enqueue_dma source(%dma_start3A_302 : memref<256x64xf32, #tpu.memory_space<vmem>>) target(%dma_start3A_298 : memref<256x64xf32, #tpu.memory_space<hbm>>) target_semaphore(%arg16 : memref<!tpu.dma_semaphore, #tpu.memory_space<semaphore_mem>>)
    %dma_wait3A_303 = arith.constant 0 : i32
    %dma_wait3A_304 = arith.constant 0 : i32
    %dma_wait3A_305 = arith.constant 0 : i32
    %dma_wait3A_306 = tpu.memref_slice %arg9[%dma_wait3A_303, %dma_wait3A_304, %dma_wait3A_305] : memref<2x256x64xf32, #tpu.memory_space<vmem>> -> memref<1x256x64xf32, #tpu.memory_space<vmem>>
    %dma_wait3A_307 = tpu.memref_squeeze %dma_wait3A_306 : memref<1x256x64xf32, #tpu.memory_space<vmem>> -> memref<256x64xf32, #tpu.memory_space<vmem>>
    %dma_wait3A_308 = arith.constant 0 : i32
    %dma_wait3A_309 = tpu.memref_slice %arg6[%mul3A_2, %dma_wait3A_308] : memref<819200x128xf32, #tpu.memory_space<hbm>> -> memref<256x64xf32, #tpu.memory_space<hbm>>
    %dma_wait3A_310 = arith.constant 0 : i32
    %dma_wait3A_311 = tpu.memref_slice %arg6[%mul3A_2, %dma_wait3A_310] : memref<819200x128xf32, #tpu.memory_space<hbm>> -> memref<256x64xf32, #tpu.memory_space<hbm>>
    %dma_wait3A_312 = arith.constant 0 : i32
    %dma_wait3A_313 = arith.constant 0 : i32
    %dma_wait3A_314 = tpu.memref_slice %arg9[%dma_wait3A_303, %dma_wait3A_312, %dma_wait3A_313] : memref<2x256x64xf32, #tpu.memory_space<vmem>> -> memref<1x256x64xf32, #tpu.memory_space<vmem>>
    %dma_wait3A_315 = tpu.memref_squeeze %dma_wait3A_314 : memref<1x256x64xf32, #tpu.memory_space<vmem>> -> memref<256x64xf32, #tpu.memory_space<vmem>>
    tpu.wait_dma2 semaphore(%arg15 : memref<!tpu.dma_semaphore, #tpu.memory_space<semaphore_mem>>) src(%dma_wait3A_315 : memref<256x64xf32, #tpu.memory_space<vmem>>) dst(%dma_wait3A_311 : memref<256x64xf32, #tpu.memory_space<hbm>>)
    %dma_wait3A_316 = arith.constant 0 : i32
    %dma_wait3A_317 = arith.constant 0 : i32
    %dma_wait3A_318 = arith.constant 0 : i32
    %dma_wait3A_319 = tpu.memref_slice %arg10[%dma_wait3A_316, %dma_wait3A_317, %dma_wait3A_318] : memref<2x256x64xf32, #tpu.memory_space<vmem>> -> memref<1x256x64xf32, #tpu.memory_space<vmem>>
    %dma_wait3A_320 = tpu.memref_squeeze %dma_wait3A_319 : memref<1x256x64xf32, #tpu.memory_space<vmem>> -> memref<256x64xf32, #tpu.memory_space<vmem>>
    %dma_wait3A_321 = arith.constant 64 : i32
    %dma_wait3A_322 = tpu.memref_slice %arg6[%mul3A_2, %dma_wait3A_321] : memref<819200x128xf32, #tpu.memory_space<hbm>> -> memref<256x64xf32, #tpu.memory_space<hbm>>
    %dma_wait3A_323 = arith.constant 64 : i32
    %dma_wait3A_324 = tpu.memref_slice %arg6[%mul3A_2, %dma_wait3A_323] : memref<819200x128xf32, #tpu.memory_space<hbm>> -> memref<256x64xf32, #tpu.memory_space<hbm>>
    %dma_wait3A_325 = arith.constant 0 : i32
    %dma_wait3A_326 = arith.constant 0 : i32
    %dma_wait3A_327 = tpu.memref_slice %arg10[%dma_wait3A_316, %dma_wait3A_325, %dma_wait3A_326] : memref<2x256x64xf32, #tpu.memory_space<vmem>> -> memref<1x256x64xf32, #tpu.memory_space<vmem>>
    %dma_wait3A_328 = tpu.memref_squeeze %dma_wait3A_327 : memref<1x256x64xf32, #tpu.memory_space<vmem>> -> memref<256x64xf32, #tpu.memory_space<vmem>>
    tpu.wait_dma2 semaphore(%arg15 : memref<!tpu.dma_semaphore, #tpu.memory_space<semaphore_mem>>) src(%dma_wait3A_328 : memref<256x64xf32, #tpu.memory_space<vmem>>) dst(%dma_wait3A_324 : memref<256x64xf32, #tpu.memory_space<hbm>>)
    %dma_wait3A_329 = arith.constant 1 : i32
    %dma_wait3A_330 = arith.constant 0 : i32
    %dma_wait3A_331 = arith.constant 0 : i32
    %dma_wait3A_332 = tpu.memref_slice %arg9[%dma_wait3A_329, %dma_wait3A_330, %dma_wait3A_331] : memref<2x256x64xf32, #tpu.memory_space<vmem>> -> memref<1x256x64xf32, #tpu.memory_space<vmem>>
    %dma_wait3A_333 = tpu.memref_squeeze %dma_wait3A_332 : memref<1x256x64xf32, #tpu.memory_space<vmem>> -> memref<256x64xf32, #tpu.memory_space<vmem>>
    %dma_wait3A_334 = arith.constant 0 : i32
    %dma_wait3A_335 = tpu.memref_slice %arg6[%mul3A_2, %dma_wait3A_334] : memref<819200x128xf32, #tpu.memory_space<hbm>> -> memref<256x64xf32, #tpu.memory_space<hbm>>
    %dma_wait3A_336 = arith.constant 0 : i32
    %dma_wait3A_337 = tpu.memref_slice %arg6[%mul3A_2, %dma_wait3A_336] : memref<819200x128xf32, #tpu.memory_space<hbm>> -> memref<256x64xf32, #tpu.memory_space<hbm>>
    %dma_wait3A_338 = arith.constant 0 : i32
    %dma_wait3A_339 = arith.constant 0 : i32
    %dma_wait3A_340 = tpu.memref_slice %arg9[%dma_wait3A_329, %dma_wait3A_338, %dma_wait3A_339] : memref<2x256x64xf32, #tpu.memory_space<vmem>> -> memref<1x256x64xf32, #tpu.memory_space<vmem>>
    %dma_wait3A_341 = tpu.memref_squeeze %dma_wait3A_340 : memref<1x256x64xf32, #tpu.memory_space<vmem>> -> memref<256x64xf32, #tpu.memory_space<vmem>>
    tpu.wait_dma2 semaphore(%arg16 : memref<!tpu.dma_semaphore, #tpu.memory_space<semaphore_mem>>) src(%dma_wait3A_341 : memref<256x64xf32, #tpu.memory_space<vmem>>) dst(%dma_wait3A_337 : memref<256x64xf32, #tpu.memory_space<hbm>>)
    %dma_wait3A_342 = arith.constant 1 : i32
    %dma_wait3A_343 = arith.constant 0 : i32
    %dma_wait3A_344 = arith.constant 0 : i32
    %dma_wait3A_345 = tpu.memref_slice %arg10[%dma_wait3A_342, %dma_wait3A_343, %dma_wait3A_344] : memref<2x256x64xf32, #tpu.memory_space<vmem>> -> memref<1x256x64xf32, #tpu.memory_space<vmem>>
    %dma_wait3A_346 = tpu.memref_squeeze %dma_wait3A_345 : memref<1x256x64xf32, #tpu.memory_space<vmem>> -> memref<256x64xf32, #tpu.memory_space<vmem>>
    %dma_wait3A_347 = arith.constant 64 : i32
    %dma_wait3A_348 = tpu.memref_slice %arg6[%mul3A_2, %dma_wait3A_347] : memref<819200x128xf32, #tpu.memory_space<hbm>> -> memref<256x64xf32, #tpu.memory_space<hbm>>
    %dma_wait3A_349 = arith.constant 64 : i32
    %dma_wait3A_350 = tpu.memref_slice %arg6[%mul3A_2, %dma_wait3A_349] : memref<819200x128xf32, #tpu.memory_space<hbm>> -> memref<256x64xf32, #tpu.memory_space<hbm>>
    %dma_wait3A_351 = arith.constant 0 : i32
    %dma_wait3A_352 = arith.constant 0 : i32
    %dma_wait3A_353 = tpu.memref_slice %arg10[%dma_wait3A_342, %dma_wait3A_351, %dma_wait3A_352] : memref<2x256x64xf32, #tpu.memory_space<vmem>> -> memref<1x256x64xf32, #tpu.memory_space<vmem>>
    %dma_wait3A_354 = tpu.memref_squeeze %dma_wait3A_353 : memref<1x256x64xf32, #tpu.memory_space<vmem>> -> memref<256x64xf32, #tpu.memory_space<vmem>>
    tpu.wait_dma2 semaphore(%arg16 : memref<!tpu.dma_semaphore, #tpu.memory_space<semaphore_mem>>) src(%dma_wait3A_354 : memref<256x64xf32, #tpu.memory_space<vmem>>) dst(%dma_wait3A_350 : memref<256x64xf32, #tpu.memory_space<hbm>>)
    return
  }
}

</mosaic_0001>

<sc_bundles>
// kernel: kernel.3.cloned.1.call-start
scs
__scs_entry_jumppad:
0x0: {  	(pc) =	sbr.rel $0x88, $3  }
0x1: {  	(tag) =	ssettag $0x0;
	lr =	simm.s32 $0x1  }
0x2: {  	[smem:$0x3F9D] =	sst lr;
	_ =	strace $0xD0000000  }
0x3: {  	_ = 	snop  }
0x4: {  	_ = 	snop  }
0x5: {  	_ = 	snop  }
0x6: {  	_ = 	snop  }
0x7: {  	_ = 	snop  }
__scs_overlays_trampoline_lowered:
0x8: {  	[smem:$0x3FAC] =	sst s0  }
0x9: {  	[smem:$0x3FAD] =	sst s1  }
0xa: {  	[smem:$0x3FAE] =	sst s2  }
0xb: {  	[smem:$0x3FAF] =	sst s3  }
0xc: {  	[smem:$0x3FB0] =	sst s4  }
0xd: {  	[smem:$0x3FB1] =	sst s5  }
0xe: {  	[smem:$0x3FB2] =	sst s6  }
0xf: {  	[smem:$0x3FB3] =	sst s7  }
0x10: {  	[smem:$0x3FB4] =	sst s8  }
0x11: {  	[smem:$0x3FB5] =	sst s9;
	s0 =	simm.s32 @!p0 $0x0  }
0x12: {  	s1 =	sld [smem:$0x3F9B];
	s0 =	simm.s32 @p0 $0x1  }
0x13: {  	[smem:$0x3FB6] =	sst s0;
	s0 =	simm.s32 @!p1 $0x0  }
0x14: {  	s2 =	sld [smem:$0x3F9A];
	s0 =	simm.s32 @p1 $0x1  }
0x15: {  	[smem:$0x3FB7] =	sst s0;
	s0 =	simm.s32 @!p2 $0x0  }
0x16: {  	s3 =	sld [smem:$0x3FDB];
	s0 =	simm.s32 @p2 $0x1  }
0x17: {  	s4 =	simm.s32 $0x1BF5;
	[smem:$0x3FB9] =	sst s0  }
0x18: {  	s0 =	sld [smem:$0x3F9C];
	_ =	swait.ge [sflag:s4], $0x0  }
0x19: {  	s7 =	sld [smem:$0x3F9D]  }
0x1a: {  	s8 =	sadd.s32 $0xFFFFE003, lr  }
0x1b: {  	s9 =	sadd.s32 $0xFFFFFEF7, lr;
	s5 =	simm.s32 $0xFFFFFFFF;
	p2 =	slt.u32 s8, $0xFFFFF086  }
0x1c: {  	p1 =	slt.u32 s9, $0xF7A;
	s5 =	simm.s32 @!p2 $0x0  }
0x1d: {  	s5 =	simm.s32 @p1 $0x1;
	p0 =	seq.s32 s7, s2  }
0x1e: {  	s7 =	smul.u32 @!p0 $0xF7A, s2;
	p2 =	seq.s32 @!p0 s5, $0x0  }
0x1f: {  	s9 =	smul.u32 $0xF7A, s1;
	s8 =	simm.s32 @!p0 $0x1BF5;
	p2 =	por !p2, p0  }
0x20: {  	[sflag:s8] =	ssyncset.s32 @!p0 $0xFFFFF086;
	s6 =	sadd.s32 @!p0 s3, s7;
	s7 =	simm.s32 @!p0 $0x108  }
0x21: {  	s3 =	sadd.s32 s3, s9;
	s6 =	sadd.s32 @!p0 $0x88, s6;
	s7 =	simm.s32 @p2 $0x1082  }
0x22: {  	[simem:s7], [sflag:s8] =	dma.local @!p0 [hbm:s6], $0xF7A  }
0x23: {  	s9 =	sor.u32 $0xD0000000, s2;
	s6 =	simm.s32 $0x108;
	_ =	swait.ge @!p0 [sflag:s8], $0x0  }
0x24: {  	s3 =	sadd.s32 $0x88, s3;
	s6 =	simm.s32 @!p1 $0x1082;
	[sflag:s4] =	ssyncset.s32 $0xFFFFF086  }
0x25: {  	[simem:s6], [sflag:s4] =	dma.local [hbm:s3], $0xF7A  }
0x26: {  	[smem:$0x3F9D] =	sst s1;
	(tag) =	ssettag s2;
	_ =	strace s9  }
0x27: {  	s1 =	sld [smem:$0x3FAD]  }
0x28: {  	s2 =	sld [smem:$0x3FAE]  }
0x29: {  	s4 =	sld [smem:$0x3FB0]  }
0x2a: {  	p0 =	seq.s32 s5, $0x0;
	s5 =	sld [smem:$0x3FB1]  }
0x2b: {  	s6 =	sld [smem:$0x3FB2]  }
0x2c: {  	s7 =	sld [smem:$0x3FB3]  }
0x2d: {  	s3 =	simm.s32 $0x108;
	s8 =	sld [smem:$0x3FB4]  }
0x2e: {  	s3 =	simm.s32 @!p0 $0x1082;
	s9 =	sld [smem:$0x3FB5]  }
0x2f: {  	lr =	sadd.s32 s0, s3;
	s0 =	sld [smem:$0x3FAC]  }
0x30: {  	s3 =	sld [smem:$0x3FAF]  }
0x31: {  	[smem:$0x3FB8] =	sst s10  }
0x32: {  	s10 =	sld [smem:$0x3FB6];
	_ =	sdelay $0x3  }
0x33: {  	p0 =	seq.s32 s10, $0x1;
	s10 =	sld [smem:$0x3FB8];
	_ =	sdelay $0x3  }
0x34: {  	[smem:$0x3FB8] =	sst s10  }
0x35: {  	s10 =	sld [smem:$0x3FB7];
	_ =	sdelay $0x3  }
0x36: {  	p1 =	seq.s32 s10, $0x1;
	s10 =	sld [smem:$0x3FB8];
	_ =	sdelay $0x3  }
0x37: {  	[smem:$0x3FB8] =	sst s10  }
0x38: {  	s10 =	sld [smem:$0x3FB9]  }
0x39: {  	_ = 	snop;
	(pc) =	sbr.ind lr, $3  }
0x3a: {  	_ = 	snop  }
0x3b: {  	_ = 	snop  }
0x3c: {  	p2 =	seq.s32 s10, $0x1;
	s10 =	sld [smem:$0x3FB8]  }
0x3d: {  	_ =	shalt  }
0x3e: {  	_ =	shalt  }
0x3f: {  	_ =	shalt  }
0x40: {  	_ =	shalt  }
0x41: {  	_ =	shalt  }
0x42: {  	_ =	shalt  }
0x43: {  	_ =	shalt  }
0x44: {  	_ =	shalt  }
0x45: {  	_ =	shalt  }
0x46: {  	_ =	shalt  }
0x47: {  	_ =	shalt  }
0x48: {  	_ =	shalt  }
0x49: {  	_ =	shalt  }
0x4a: {  	_ =	shalt  }
0x4b: {  	_ =	shalt  }
0x4c: {  	_ =	shalt  }
0x4d: {  	_ =	shalt  }
0x4e: {  	_ =	shalt  }
0x4f: {  	_ =	shalt  }
0x50: {  	_ =	shalt  }
0x51: {  	_ =	shalt  }
0x52: {  	_ =	shalt  }
0x53: {  	_ =	shalt  }
0x54: {  	_ =	shalt  }
0x55: {  	_ =	shalt  }
0x56: {  	_ =	shalt  }
0x57: {  	_ =	shalt  }
0x58: {  	_ =	shalt  }
0x59: {  	_ =	shalt  }
0x5a: {  	_ =	shalt  }
0x5b: {  	_ =	shalt  }
0x5c: {  	_ =	shalt  }
0x5d: {  	_ =	shalt  }
0x5e: {  	_ =	shalt  }
0x5f: {  	_ =	shalt  }
0x60: {  	_ =	shalt  }
0x61: {  	_ =	shalt  }
0x62: {  	_ =	shalt  }
0x63: {  	_ =	shalt  }
0x64: {  	_ =	shalt  }
0x65: {  	_ =	shalt  }
0x66: {  	_ =	shalt  }
0x67: {  	_ =	shalt  }
0x68: {  	_ =	shalt  }
0x69: {  	_ =	shalt  }
0x6a: {  	_ =	shalt  }
0x6b: {  	_ =	shalt  }
0x6c: {  	_ =	shalt  }
0x6d: {  	_ =	shalt  }
0x6e: {  	_ =	shalt  }
0x6f: {  	_ =	shalt  }
0x70: {  	_ =	shalt  }
0x71: {  	_ =	shalt  }
0x72: {  	_ =	shalt  }
0x73: {  	_ =	shalt  }
0x74: {  	_ =	shalt  }
0x75: {  	_ =	shalt  }
0x76: {  	_ =	shalt  }
0x77: {  	_ =	shalt  }
0x78: {  	_ =	shalt  }
0x79: {  	_ =	shalt  }
0x7a: {  	_ =	shalt  }
0x7b: {  	_ =	shalt  }
0x7c: {  	_ =	shalt  }
0x7d: {  	_ =	shalt  }
0x7e: {  	_ =	shalt  }
0x7f: {  	_ =	shalt  }
0x80: {  	_ =	shalt  }
0x81: {  	_ =	shalt  }
0x82: {  	_ =	shalt  }
0x83: {  	_ =	shalt  }
0x84: {  	_ =	shalt  }
0x85: {  	_ =	shalt  }
0x86: {  	_ =	shalt  }
0x87: {  	_ =	shalt  }
.Lfunc_end0:
.L_simem_size_0:
called_computation_lowered:
.L_overlay_start_0:
0x88: {  	s2 =	sld [smem:$0x3FD9]  }
0x89: {  	s3 =	sld [smem:$0x3FFE];
	_ =	sdelay $0x1  }
0x8a: {  	s1 =	srdreg.scid  }
0x8b: {  	s0 =	sand.u32 $0x1, s1  }
0x8c: {  	s17 =	sshll.u32 s0, $0xA;
	s2 =	sadd.s32 s3, s2  }
0x8d: {  	s2 =	sadd.s32 s2, s17  }
0x8e: {  	[smem:$0x3FC4] =	sst s2  }
0x8f: {  	_ = 	snop  }
0x90: {  	s2 =	sld [smem:$0x3FD0];
	(tm) =	ssettm $0x1  }
0x91: {  	s18 =	sld [smem:$0x3FFB];
	_ =	sdelay $0x3  }
0x92: {  	_ =	strace s18  }
0x93: {  	s3 =	sld [smem:$0x3FFC];
	_ =	sdelay $0x3  }
0x94: {  	_ =	strace s3  }
0x95: {  	s3 =	sld [smem:$0x3FFD];
	_ =	sdelay $0x3  }
0x96: {  	_ =	strace s3  }
0x97: {  	_ =	strace $0x8FFFFFFF  }
0x98: {  	s19 =	sld [smem:$0x3FDB];
	_ =	sdelay $0x1  }
0x99: {  	s4 =	simm.s32 $_scs_section_size  }
0x9a: {  	s5 =	simm.s32 $_size__tile_overlayer_lowered;
	s6 =	simm.s32 $_tile_overlayer_lowered  }
0x9b: {  	s22 =	simm.s32 $0x1BFF;
	s21 =	sshll.u32 s6, $0x1;
	s3 =	sadd.s32 s4, s19  }
0x9c: {  	s7 =	simm.s32 $0x0;
	s20 =	sshll.u32 s5, $0x1;
	s5 =	sadd.s32 s21, s3  }
0x9d: {  	[timem:s7], [sflag:s22] =	dma.local [hbm:s5], s20  }
0x9e: {  	_ =	swait.ge [sflag:s22], s20  }
0x9f: {  	s4 =	ssub.s32 $0x0, s20;
	[sflag:s22] =	ssyncset.done $0x0  }
0xa0: {  	[sflag:s22] =	ssyncadd.s32 s4;
	_ =	sdelay $0x1  }
0xa1: {  	s23 =	simm.s32 $0x1B8B  }
0xa2: {  	_ =	swait.ge [sflag:s23], $0x1  }
0xa3: {  	[sflag:s23] =	ssyncset.done $0x0  }
0xa4: {  	s25 =	simm.s32 $0x1B8E;
	s24 =	sld [smem:$0x3FFE];
	[sflag:s23] =	ssyncadd.s32 $0xFFFFFFFF  }
0xa5: {  	s26 =	simm.s32 $execute0_lowered;
	[smem:$0x3FD2] =	sst s25  }
0xa6: {  	s5 =	sshll.u32 s26, $0x1;
	_ =	strace $0x80000046;
	[dreg:$0x1] =	wrdreg $0xFFFFFFFF  }
0xa7: {  	s28 =	simm.s32 $_size_execute0_lowered;
	s3 =	sadd.s32 s3, s5;
	[dreg:$0x0] =	wrdreg $0x0  }
0xa8: {  	s5 =	sshll.u32 s28, $0x1;
	[dreg:$0x2] =	wrdreg s3  }
0xa9: {  	[dreg:$0x3] =	wrdreg s5  }
0xaa: {  	[dreg:$0x4] =	wrdreg $0xC0  }
0xab: {  	_ =	task [dreg:s7], $0x5FFFF  }
0xac: {  	[dreg:$0x1] =	wrdreg $0xFFFFFFFF  }
0xad: {  	[dreg:$0x0] =	wrdreg $0x60  }
0xae: {  	[dreg:$0x2] =	wrdreg s24  }
0xaf: {  	[dreg:$0x3] =	wrdreg s2  }
0xb0: {  	[dreg:$0x4] =	wrdreg $0x9  }
0xb1: {  	_ =	task.clear_ibuf [dreg:s7], $0x5FFFF;
	_ =	strace $0x90000046  }
0xb2: {  	s29 =	simm.s32 $0x9;
	_ =	strace $0x80000048  }
0xb3: {  	_ =	swait.ge [sflag:s29], $0x1  }
0xb4: {  	[sflag:s29] =	ssyncadd.s32 $0xFFFFFFFF  }
0xb5: {  	_ =	strace $0x90000048  }
0xb6: {  	_ =	sfence  }
0xb7: {  	s30 =	sld [smem:$0x0];
	_ =	sdelay $0x2  }
0xb8: {  	s31 =	sshll.u32 s1, $0xD;
	s1 =	sshrl.u32 s1, $0x2  }
0xb9: {  	s3 =	sand.u32 $0x4000, s31;
	s1 =	sadd.s32 s1, s30  }
0xba: {  	s0 =	sor.u32 s3, s0;
	s1 =	sshll.u32 s1, $0x11  }
0xbb: {  	s0 =	sor.u32 s1, s0  }
0xbc: {  	s0 =	sadd.s32 $0x8F2B, s0  }
0xbd: {  	[sflag:s0] =	ssyncadd.remote.s32 $0x1  }
0xbe: {  	_ =	sfence.sel $0xFFFF  }
0xbf: {  	[dreg:$0x0] =	wrdreg $0xFFFFFFFF;
	(pc) =	sbr.abs _section_cstart, $3  }
0xc0: {  	[dreg:$0x1] =	wrdreg $0xFFFFFFFF  }
0xc1: {  	_ =	task.clear_ibuf [dreg:s7], $0x2FFFF;
	_ =	strace $0x9FFFFFFF  }
0xc2: {  	(tm) =	ssettm $0x7FFFFFFF  }
0xc3: {  	_ =	shalt  }
tec
execute0_lowered:
.L_overlay_start_1:
0x0: {  	(tag) =	ssettag $0x1  }
0x1: {  	s0 =	rddreg [dreg:$0x0];
	s1 =	srdreg.scid  }
0x2: {  	s11 =	stileid.u32;
	s5 =	rddreg [dreg:$0x1]  }
0x3: {  	s2 =	simm.s32 $0x0;
	s14 =	simm.s32 $0x7;
	s16 =	simm.s32 $0x80  }
0x4: {  	s17 =	simm.s32 $0xC800;
	s18 =	simm.s32 $0x14800;
	s19 =	simm.s32 $0xE800  }
0x5: {  	s28 =	simm.s32 $0x12800;
	s30 =	simm.s32 $0x1A800;
	s31 =	simm.s32 $0x1  }
0x6: {  	s29 =	simm.s32 $0x0;
	s1 =	sand.u32 $0x1, s1;
	s22 =	smul.u32 $0x640000, s11  }
0x7: {  	s3 =	sshll.u32 s11, $0x1;
	[smem:$0x7FF] =	sst s2;
	s11 =	smul.u32 $0xC8000, s11  }
0x8: {  	s4 =	sadd.s32 $0x32A00, s0;
	s6 =	sor.u32 s1, s3;
	s9 =	smul.u32 $0x320000, s1  }
0x9: {  	s10 =	sadd.s32 $0x8, s5;
	s8 =	ssub.s32 $0x2, s1;
	s3 =	smul.u32 $0xC80, s6  }
0xa: {  	_ =	strace $0x80000047;
	s1 =	smul.u32 $0x64000, s1;
	s20 =	sshrl.u32 s8, $0x1  }
0xb: {  	s6 =	smul.u32 $0x320000, s6;
	s23 =	sadd.s32 s9, s22;
	s7 =	sadd.s32 s3, s0  }
0xc: {  	s22 =	simm.s32 $0x2;
	s3 =	sadd.s32 $0xF42E00, s0;
	s21 =	sadd.s32 $0x19A00, s7  }
0xd: {  	s0 =	ssub.s32 s8, s20;
	s7 =	sadd.s32 $0xA00, s7;
	[dreg:$0x3] =	wrdreg s21  }
0xe: {  	s6 =	sshrl.u32 s6, $0x3;
	s20 =	simm.s32 $0x5;
	[dreg:$0x4] =	wrdreg s7  }
0xf: {  	s7 =	sadd.s32 s5, s6;
	s6 =	sadd.s32 s6, s10;
	s5 =	sadd.s32 s11, s5  }
0x10: {  	s11 =	smax.u32 s0, $0x1;
	s21 =	simm.s32 $0x16800;
	s0 =	simm.s32 $0x3  }
0x11: {  	[dreg:$0x5] =	wrdreg s6;
	s24 =	sadd.s32 $0x63000, s7;
	s6 =	sor.u32 $0x10000, s23  }
0x12: {  	s25 =	sadd.s32 $0x63008, s7;
	s1 =	sadd.s32 s1, s5;
	[dreg:$0x6] =	wrdreg s24  }
0x13: {  	s23 =	simm.s32 $0x10800;
	[dreg:$0x7] =	wrdreg s25;
	s26 =	sshrl.u32 s6, $0x3  }
0x14: {  	s12 =	sadd.s32 $0x1008, s1;
	s25 =	simm.s32 $0x18800;
	s1 =	simm.s32 $0x40  }
0x15: {  	s24 =	simm.s32 $0x4;
	s9 =	sadd.s32 s26, s10;
	s26 =	simm.s32 $0x6  }
.LBB2_1:
0x16: {  	s5 =	rddreg [dreg:$0x3]  }
0x17: {  	[tilespmem:s2], [sflag:$0x7] =	stream.linear.gather [hbm4b:s5+s2], $0x6400, $0x38;
	[tilespmem:$0x1C800] =	vst v63  }
0x18: {  	_ =	swait.ge [sflag:s14], $0x6400  }
0x19: {  	[sflag:s14] =	ssyncset.done $0x0  }
0x1a: {  	s6 =	simm.s32 $0x6400;
	s13 =	rddreg [dreg:$0x4];
	[sflag:s14] =	ssyncadd.s32 $0xFFFF9C00  }
0x1b: {  	[tilespmem:s6], [sflag:$0x7] =	stream.linear.gather [hbm4b:s13+s2], $0x6400, $0x38;
	[tilespmem:$0x1C800] =	vst v63  }
0x1c: {  	_ =	swait.ge [sflag:s14], $0x6400  }
0x1d: {  	[sflag:s14] =	ssyncset.done $0x0  }
0x1e: {  	[sflag:s14] =	ssyncadd.s32 $0xFFFF9C00  }
0x1f: {  	[tilespmem:s17], [sflag:$0x1] =	stream.indirect.gather [hbm4b:s3+s16], $0x40, s2, s16, $0xb8;
	[tilespmem:$0x1C800] =	vst v63  }
0x20: {  	_ = 	snop  }
0x21: {  	[tilespmem:s18], [sflag:$0x3] =	stream.indirect.gather [hbm4b:s4+s16], $0x40, s6, s16, $0xb8;
	[tilespmem:$0x1C800] =	vst v63  }
0x22: {  	_ = 	snop  }
0x23: {  	[tilespmem:s19], [sflag:$0x1] =	stream.indirect.gather [hbm4b:s3+s16], $0x40, s16, s16, $0xb8;
	[tilespmem:$0x1C800] =	vst v63  }
0x24: {  	s15 =	simm.s32 $0x6480  }
0x25: {  	[tilespmem:s21], [sflag:$0x3] =	stream.indirect.gather [hbm4b:s4+s16], $0x40, s15, s16, $0xb8;
	[tilespmem:$0x1C800] =	vst v63  }
0x26: {  	s6 =	simm.s32 $0x100  }
0x27: {  	[tilespmem:s23], [sflag:$0x2] =	stream.indirect.gather [hbm4b:s3+s16], $0x40, s6, s16, $0xb8;
	[tilespmem:$0x1C800] =	vst v63  }
0x28: {  	s8 =	simm.s32 $0x6500  }
0x29: {  	[tilespmem:s25], [sflag:$0x4] =	stream.indirect.gather [hbm4b:s4+s16], $0x40, s8, s16, $0xb8;
	[tilespmem:$0x1C800] =	vst v63  }
0x2a: {  	s10 =	simm.s32 $0x180  }
0x2b: {  	[tilespmem:s28], [sflag:$0x2] =	stream.indirect.gather [hbm4b:s3+s16], $0x40, s10, s16, $0xb8;
	[tilespmem:$0x1C800] =	vst v63  }
0x2c: {  	s13 =	simm.s32 $0x6580  }
0x2d: {  	[tilespmem:s30], [sflag:$0x4] =	stream.indirect.gather [hbm4b:s4+s16], $0x40, s13, s16, $0xb8;
	[tilespmem:$0x1C800] =	vst v63  }
0x2e: {  	_ =	swait.ge [sflag:s31], $0x2000  }
0x2f: {  	[sflag:s31] =	ssyncset.done $0x0  }
0x30: {  	[sflag:s31] =	ssyncadd.s32 $0xFFFFE000  }
0x31: {  	_ =	swait.ge [sflag:s31], $0x2000  }
0x32: {  	[sflag:s31] =	ssyncset.done $0x0  }
0x33: {  	[sflag:s31] =	ssyncadd.s32 $0xFFFFE000  }
0x34: {  	[hbm4b:s7+s1] =	stream.strided.scatter [tilespmem:s17], [sflag:$0x5], $0x4000, s16, s1, $0x38;
	[tilespmem:$0x1C800] =	vst v63  }
0x35: {  	_ =	swait.ge [sflag:s0], $0x2000  }
0x36: {  	[sflag:s0] =	ssyncset.done $0x0  }
0x37: {  	[sflag:s0] =	ssyncadd.s32 $0xFFFFE000  }
0x38: {  	_ =	swait.ge [sflag:s0], $0x2000  }
0x39: {  	[sflag:s0] =	ssyncset.done $0x0  }
0x3a: {  	s15 =	rddreg [dreg:$0x5];
	[sflag:s0] =	ssyncadd.s32 $0xFFFFE000  }
0x3b: {  	[hbm4b:s15+s1] =	stream.strided.scatter [tilespmem:s18], [sflag:$0x5], $0x4000, s16, s1, $0x38;
	[tilespmem:$0x1C800] =	vst v63  }
0x3c: {  	_ =	swait.ge [sflag:s20], $0x4000  }
0x3d: {  	[sflag:s20] =	ssyncset.done $0x0  }
0x3e: {  	[sflag:s20] =	ssyncadd.s32 $0xFFFFC000  }
0x3f: {  	_ =	swait.ge [sflag:s20], $0x4000  }
0x40: {  	[sflag:s20] =	ssyncset.done $0x0  }
0x41: {  	s6 =	simm.s32 $0x200;
	[sflag:s20] =	ssyncadd.s32 $0xFFFFC000  }
0x42: {  	[tilespmem:s17], [sflag:$0x1] =	stream.indirect.gather [hbm4b:s3+s16], $0x40, s6, s16, $0xb8;
	[tilespmem:$0x1C800] =	vst v63  }
0x43: {  	s8 =	simm.s32 $0x6600  }
0x44: {  	[tilespmem:s18], [sflag:$0x3] =	stream.indirect.gather [hbm4b:s4+s16], $0x40, s8, s16, $0xb8;
	[tilespmem:$0x1C800] =	vst v63  }
0x45: {  	s10 =	simm.s32 $0x280  }
0x46: {  	[tilespmem:s19], [sflag:$0x1] =	stream.indirect.gather [hbm4b:s3+s16], $0x40, s10, s16, $0xb8;
	[tilespmem:$0x1C800] =	vst v63  }
0x47: {  	s13 =	simm.s32 $0x6680  }
0x48: {  	[tilespmem:s21], [sflag:$0x3] =	stream.indirect.gather [hbm4b:s4+s16], $0x40, s13, s16, $0xb8;
	[tilespmem:$0x1C800] =	vst v63  }
0x49: {  	_ =	swait.ge [sflag:s22], $0x2000  }
0x4a: {  	[sflag:s22] =	ssyncset.done $0x0  }
0x4b: {  	[sflag:s22] =	ssyncadd.s32 $0xFFFFE000  }
0x4c: {  	_ =	swait.ge [sflag:s22], $0x2000  }
0x4d: {  	[sflag:s22] =	ssyncset.done $0x0  }
0x4e: {  	s15 =	sadd.s32 $0xFFFFFFF8, s12;
	[sflag:s22] =	ssyncadd.s32 $0xFFFFE000  }
0x4f: {  	[hbm4b:s15+s1] =	stream.strided.scatter [tilespmem:s23], [sflag:$0x6], $0x4000, s16, s1, $0x38;
	[tilespmem:$0x1C800] =	vst v63  }
0x50: {  	_ =	swait.ge [sflag:s24], $0x2000  }
0x51: {  	[sflag:s24] =	ssyncset.done $0x0  }
0x52: {  	[sflag:s24] =	ssyncadd.s32 $0xFFFFE000  }
0x53: {  	_ =	swait.ge [sflag:s24], $0x2000  }
0x54: {  	[sflag:s24] =	ssyncset.done $0x0  }
0x55: {  	[sflag:s24] =	ssyncadd.s32 $0xFFFFE000  }
0x56: {  	[hbm4b:s12+s1] =	stream.strided.scatter [tilespmem:s25], [sflag:$0x6], $0x4000, s16, s1, $0x38;
	[tilespmem:$0x1C800] =	vst v63  }
0x57: {  	_ =	swait.ge [sflag:s26], $0x4000  }
0x58: {  	[sflag:s26] =	ssyncset.done $0x0  }
0x59: {  	[sflag:s26] =	ssyncadd.s32 $0xFFFFC000  }
0x5a: {  	_ =	swait.ge [sflag:s26], $0x4000  }
0x5b: {  	[sflag:s26] =	ssyncset.done $0x0  }
0x5c: {  	s6 =	simm.s32 $0x300;
	[sflag:s26] =	ssyncadd.s32 $0xFFFFC000  }
0x5d: {  	[tilespmem:s23], [sflag:$0x2] =	stream.indirect.gather [hbm4b:s3+s16], $0x40, s6, s16, $0xb8;
	[tilespmem:$0x1C800] =	vst v63  }
0x5e: {  	s8 =	simm.s32 $0x6700  }
0x5f: {  	[tilespmem:s25], [sflag:$0x4] =	stream.indirect.gather [hbm4b:s4+s16], $0x40, s8, s16, $0xb8;
	[tilespmem:$0x1C800] =	vst v63  }
0x60: {  	s10 =	simm.s32 $0x380  }
0x61: {  	[tilespmem:s28], [sflag:$0x2] =	stream.indirect.gather [hbm4b:s3+s16], $0x40, s10, s16, $0xb8;
	[tilespmem:$0x1C800] =	vst v63  }
0x62: {  	s13 =	simm.s32 $0x6780  }
0x63: {  	[tilespmem:s30], [sflag:$0x4] =	stream.indirect.gather [hbm4b:s4+s16], $0x40, s13, s16, $0xb8;
	[tilespmem:$0x1C800] =	vst v63  }
0x64: {  	_ =	swait.ge [sflag:s31], $0x2000  }
0x65: {  	[sflag:s31] =	ssyncset.done $0x0  }
0x66: {  	[sflag:s31] =	ssyncadd.s32 $0xFFFFE000  }
0x67: {  	_ =	swait.ge [sflag:s31], $0x2000  }
0x68: {  	[sflag:s31] =	ssyncset.done $0x0  }
0x69: {  	s15 =	sadd.s32 $0xFFFFFFF8, s9;
	[sflag:s31] =	ssyncadd.s32 $0xFFFFE000  }
0x6a: {  	[hbm4b:s15+s1] =	stream.strided.scatter [tilespmem:s17], [sflag:$0x5], $0x4000, s16, s1, $0x38;
	[tilespmem:$0x1C800] =	vst v63  }
0x6b: {  	_ =	swait.ge [sflag:s0], $0x2000  }
0x6c: {  	[sflag:s0] =	ssyncset.done $0x0  }
0x6d: {  	[sflag:s0] =	ssyncadd.s32 $0xFFFFE000  }
0x6e: {  	_ =	swait.ge [sflag:s0], $0x2000  }
0x6f: {  	s5 =	simm.s32 $0x800;
	s6 =	sadd.s32 $0x2000, s12;
	[sflag:s0] =	ssyncset.done $0x0  }
0x70: {  	s8 =	sadd.s32 $0x2000, s9;
	s13 =	smov.u32 s9;
	[sflag:s0] =	ssyncadd.s32 $0xFFFFE000  }
.LBB2_2:
0x71: {  	[hbm4b:s13+s1] =	stream.strided.scatter [tilespmem:s18], [sflag:$0x5], $0x4000, s16, s1, $0x38;
	[tilespmem:$0x1C800] =	vst v63  }
0x72: {  	s10 =	smov.u32 s5;
	s13 =	smov.u32 s8  }
0x73: {  	p0 =	sne.s32 s5, $0x18000;
	s5 =	sadd.s32 $0x800, s5;
	_ =	swait.ge [sflag:s20], $0x4000  }
0x74: {  	[sflag:s20] =	ssyncset.done $0x0  }
0x75: {  	[sflag:s20] =	ssyncadd.s32 $0xFFFFC000  }
0x76: {  	_ =	swait.ge [sflag:s20], $0x4000  }
0x77: {  	s10 =	sshra.s32 s10, $0x2;
	[sflag:s20] =	ssyncset.done $0x0  }
0x78: {  	s15 =	sadd.s32 $0x200, s10;
	[sflag:s20] =	ssyncadd.s32 $0xFFFFC000  }
0x79: {  	[tilespmem:s17], [sflag:$0x1] =	stream.indirect.gather [hbm4b:s3+s16], $0x40, s15, s16, $0xb8;
	[tilespmem:$0x1C800] =	vst v63  }
0x7a: {  	s15 =	sadd.s32 $0x6600, s10  }
0x7b: {  	[tilespmem:s18], [sflag:$0x3] =	stream.indirect.gather [hbm4b:s4+s16], $0x40, s15, s16, $0xb8;
	[tilespmem:$0x1C800] =	vst v63  }
0x7c: {  	s15 =	sadd.s32 $0x280, s10  }
0x7d: {  	[tilespmem:s19], [sflag:$0x1] =	stream.indirect.gather [hbm4b:s3+s16], $0x40, s15, s16, $0xb8;
	[tilespmem:$0x1C800] =	vst v63  }
0x7e: {  	s15 =	sadd.s32 $0x6680, s10  }
0x7f: {  	[tilespmem:s21], [sflag:$0x3] =	stream.indirect.gather [hbm4b:s4+s16], $0x40, s15, s16, $0xb8;
	[tilespmem:$0x1C800] =	vst v63  }
0x80: {  	_ =	swait.ge [sflag:s22], $0x2000  }
0x81: {  	[sflag:s22] =	ssyncset.done $0x0  }
0x82: {  	[sflag:s22] =	ssyncadd.s32 $0xFFFFE000  }
0x83: {  	_ =	swait.ge [sflag:s22], $0x2000  }
0x84: {  	[sflag:s22] =	ssyncset.done $0x0  }
0x85: {  	s15 =	sadd.s32 $0xFFFFFFF8, s6;
	[sflag:s22] =	ssyncadd.s32 $0xFFFFE000  }
0x86: {  	[hbm4b:s15+s1] =	stream.strided.scatter [tilespmem:s23], [sflag:$0x6], $0x4000, s16, s1, $0x38;
	[tilespmem:$0x1C800] =	vst v63  }
0x87: {  	_ =	swait.ge [sflag:s24], $0x2000  }
0x88: {  	[sflag:s24] =	ssyncset.done $0x0  }
0x89: {  	[sflag:s24] =	ssyncadd.s32 $0xFFFFE000  }
0x8a: {  	_ =	swait.ge [sflag:s24], $0x2000  }
0x8b: {  	[sflag:s24] =	ssyncset.done $0x0  }
0x8c: {  	[sflag:s24] =	ssyncadd.s32 $0xFFFFE000  }
0x8d: {  	[hbm4b:s6+s1] =	stream.strided.scatter [tilespmem:s25], [sflag:$0x6], $0x4000, s16, s1, $0x38;
	[tilespmem:$0x1C800] =	vst v63  }
0x8e: {  	_ =	swait.ge [sflag:s26], $0x4000  }
0x8f: {  	[sflag:s26] =	ssyncset.done $0x0  }
0x90: {  	[sflag:s26] =	ssyncadd.s32 $0xFFFFC000  }
0x91: {  	_ =	swait.ge [sflag:s26], $0x4000  }
0x92: {  	[sflag:s26] =	ssyncset.done $0x0  }
0x93: {  	s15 =	sadd.s32 $0x300, s10;
	[sflag:s26] =	ssyncadd.s32 $0xFFFFC000  }
0x94: {  	[tilespmem:s23], [sflag:$0x2] =	stream.indirect.gather [hbm4b:s3+s16], $0x40, s15, s16, $0xb8;
	[tilespmem:$0x1C800] =	vst v63  }
0x95: {  	s15 =	sadd.s32 $0x6700, s10  }
0x96: {  	[tilespmem:s25], [sflag:$0x4] =	stream.indirect.gather [hbm4b:s4+s16], $0x40, s15, s16, $0xb8;
	[tilespmem:$0x1C800] =	vst v63  }
0x97: {  	s15 =	sadd.s32 $0x380, s10  }
0x98: {  	[tilespmem:s28], [sflag:$0x2] =	stream.indirect.gather [hbm4b:s3+s16], $0x40, s15, s16, $0xb8;
	[tilespmem:$0x1C800] =	vst v63  }
0x99: {  	s10 =	sadd.s32 $0x6780, s10  }
0x9a: {  	[tilespmem:s30], [sflag:$0x4] =	stream.indirect.gather [hbm4b:s4+s16], $0x40, s10, s16, $0xb8;
	[tilespmem:$0x1C800] =	vst v63  }
0x9b: {  	_ =	swait.ge [sflag:s31], $0x2000  }
0x9c: {  	[sflag:s31] =	ssyncset.done $0x0  }
0x9d: {  	[sflag:s31] =	ssyncadd.s32 $0xFFFFE000  }
0x9e: {  	_ =	swait.ge [sflag:s31], $0x2000  }
0x9f: {  	[sflag:s31] =	ssyncset.done $0x0  }
0xa0: {  	s10 =	sadd.s32 $0xFFFFFFF8, s8;
	[sflag:s31] =	ssyncadd.s32 $0xFFFFE000  }
0xa1: {  	[hbm4b:s10+s1] =	stream.strided.scatter [tilespmem:s17], [sflag:$0x5], $0x4000, s16, s1, $0x38;
	[tilespmem:$0x1C800] =	vst v63  }
0xa2: {  	_ =	swait.ge [sflag:s0], $0x2000  }
.Ltmp0:
0xa3: {  	[sflag:s0] =	ssyncset.done $0x0;
	(pc) =	sbr.rel @p0 .LBB2_2-.Ltmp0, $4  }
0xa4: {  	[sflag:s0] =	ssyncadd.s32 $0xFFFFE000  }
0xa5: {  	_ =	swait.ge [sflag:s0], $0x2000  }
0xa6: {  	[sflag:s0] =	ssyncset.done $0x0  }
0xa7: {  	s6 =	sadd.s32 $0x2000, s6;
	s8 =	sadd.s32 $0x2000, s8;
	[sflag:s0] =	ssyncadd.s32 $0xFFFFE000  }
0xa8: {  	[hbm4b:s13+s1] =	stream.strided.scatter [tilespmem:s18], [sflag:$0x5], $0x4000, s16, s1, $0x38;
	[tilespmem:$0x1C800] =	vst v63  }
0xa9: {  	_ =	swait.ge [sflag:s22], $0x2000  }
0xaa: {  	[sflag:s22] =	ssyncset.done $0x0  }
0xab: {  	[sflag:s22] =	ssyncadd.s32 $0xFFFFE000  }
0xac: {  	_ =	swait.ge [sflag:s22], $0x2000  }
0xad: {  	[sflag:s22] =	ssyncset.done $0x0  }
0xae: {  	s5 =	rddreg [dreg:$0x6];
	[sflag:s22] =	ssyncadd.s32 $0xFFFFE000  }
0xaf: {  	[hbm4b:s5+s1] =	stream.strided.scatter [tilespmem:s23], [sflag:$0x6], $0x4000, s16, s1, $0x38;
	[tilespmem:$0x1C800] =	vst v63  }
0xb0: {  	_ =	swait.ge [sflag:s24], $0x2000  }
0xb1: {  	[sflag:s24] =	ssyncset.done $0x0  }
0xb2: {  	[sflag:s24] =	ssyncadd.s32 $0xFFFFE000  }
0xb3: {  	_ =	swait.ge [sflag:s24], $0x2000  }
0xb4: {  	[sflag:s24] =	ssyncset.done $0x0  }
0xb5: {  	s15 =	rddreg [dreg:$0x7];
	[sflag:s24] =	ssyncadd.s32 $0xFFFFE000  }
0xb6: {  	[hbm4b:s15+s1] =	stream.strided.scatter [tilespmem:s25], [sflag:$0x6], $0x4000, s16, s1, $0x38;
	[tilespmem:$0x1C800] =	vst v63  }
0xb7: {  	_ =	swait.ge [sflag:s20], $0x4000  }
0xb8: {  	[sflag:s20] =	ssyncset.done $0x0  }
0xb9: {  	[sflag:s20] =	ssyncadd.s32 $0xFFFFC000  }
0xba: {  	_ =	swait.ge [sflag:s20], $0x4000  }
0xbb: {  	[sflag:s20] =	ssyncset.done $0x0  }
0xbc: {  	s29 =	sadd.s32 $0x1, s29;
	[sflag:s20] =	ssyncadd.s32 $0xFFFFC000  }
0xbd: {  	p0 =	sne.s32 s29, s11;
	_ =	swait.ge [sflag:s26], $0x4000  }
.Ltmp1:
0xbe: {  	[sflag:s26] =	ssyncset.done $0x0;
	(pc) =	sbr.rel @p0 .LBB2_1-.Ltmp1, $4  }
0xbf: {  	[sflag:s26] =	ssyncadd.s32 $0xFFFFC000  }
0xc0: {  	_ =	swait.ge [sflag:s26], $0x4000  }
0xc1: {  	[sflag:s26] =	ssyncset.done $0x0  }
0xc2: {  	[sflag:s26] =	ssyncadd.s32 $0xFFFFC000  }
0xc3: {  	_ =	sfence.sel $0x180000  }
0xc4: {  	[bflag:$0x0] =	sbarrier.arrive $0xFFFF  }
0xc5: {  	_ =	strace $0x90000047  }
0xc6: {  	s0 =	stileid.u32;
	[bflag:$0x2] =	sbarrier.arrive $0xFFFF  }
0xc7: {  	p0 =	sne.s32 s0, $0x0;
	s0 =	rddreg [dreg:$0x2]  }
0xc8: {  	s0 =	sadd.s32 @!p0 $0x100000, s0  }
0xc9: {  	[sflag:s0] =	ssyncadd.tile.s32 @!p0 $0x1;
	_ =	shalt  }
.Lfunc_end2:
_tile_overlayer_lowered:
.L_overlay_start_2:
0xca: {  	(tag) =	ssettag $0x2  }
0xcb: {  	s0 =	rddreg [dreg:$0x0];
	s2 =	stileid.u32  }
0xcc: {  	s1 =	rddreg [dreg:$0x1];
	p0 =	sne.s32 s2, $0x0  }
0xcd: {  	s3 =	rddreg [dreg:$0x2];
	[bflag:$0x3] =	sbarrier.arrive $0xFFFF;
	s2 =	simm.s32 @!p0 $0x1C07  }
0xce: {  	[timem:s3], [sflag:s2] =	dma.local @!p0 [hbm:s0], s1  }
0xcf: {  	s0 =	simm.s32 @!p0 $0x7  }
0xd0: {  	_ =	swait.ge @!p0 [sflag:s0], s1  }
0xd1: {  	s1 =	ssub.s32 @!p0 $0x0, s1;
	[sflag:s0] =	ssyncset.done @!p0 $0x0  }
0xd2: {  	[sflag:s0] =	ssyncadd.s32 @!p0 s1  }
0xd3: {  	[bflag:$0x3] =	sbarrier.arrive $0xFFFF  }
0xd4: {  	_ =	shalt  }

</sc_bundles>
